<compile_context>
chip_gen: v7x
topology: tpu7x:2x2x1
jax: 0.10.2.dev20260603
libtpu: 0.0.44.dev20260713+nightly
codegen_flags: <defaults>
</compile_context>

<pallas_src>
import functools

import jax
import jax.numpy as jnp
from jax import lax
from jax.experimental import pallas as pl
from jax.experimental.pallas import tpu as pltpu
from jax.experimental.pallas import tpu_sc as plsc

N = 10000
E = 320000
H = 128
DE = 16

NC = 2
NS = 16
CH = 80
EPT = E // NS
NCH1 = EPT // CH
ACH = 128
NAUX = E // ACH
AUXI = (NAUX + NS - 1) // NS
EAR = E * DE // H
NP = 10240
ROWS = NP // NS

_mesh = plsc.VectorSubcoreMesh(core_axis_name="c", subcore_axis_name="s")


@functools.partial(
    pl.kernel,
    out_type=jax.ShapeDtypeStruct((NC * NP, H), jnp.float32),
    mesh=_mesh,
    scratch_types=[
        pltpu.VMEM((4, CH), jnp.int32),
        pltpu.VMEM((4, CH), jnp.int32),
        pltpu.VMEM((2, ACH), jnp.int32),
        pltpu.VMEM((CH, H), jnp.float32),
        pltpu.VMEM((CH, H), jnp.float32),
        pltpu.VMEM((ACH // 8, H), jnp.float32),
        pltpu.VMEM((ACH // 8, H), jnp.float32),
        pltpu.VMEM((ACH, H), jnp.float32),
        pltpu.VMEM_SHARED((NP, H), jnp.float32),
        pltpu.SemaphoreType.DMA,
        pltpu.SemaphoreType.DMA,
        pltpu.SemaphoreType.DMA,
        pltpu.SemaphoreType.DMA,
        pltpu.SemaphoreType.DMA,
        pltpu.SemaphoreType.DMA,
        pltpu.SemaphoreType.DMA,
        pltpu.SemaphoreType.DMA,
    ],
)
def _sc_segment_sums(feat_hbm, src_hbm, dst_hbm, ear_hbm, zh_hbm,
                     out_hbm,
                     sidx2, didx2, didxa2, rows_a, rows_b,
                     eablk_a, eablk_b, pay_v, acc,
                     gsem_a, gsem_b, isem_a, isem_b, isem_c, isem_d,
                     esem_a, esem_b):
    cid = lax.axis_index("c")
    sid = lax.axis_index("s")

    r0 = sid * ROWS
    pltpu.sync_copy(zh_hbm, rows_a)

    def zero_blk(j, carry):
        pltpu.sync_copy(rows_a, acc.at[pl.ds(r0 + j * CH, CH)])
        return carry

    lax.fori_loop(0, ROWS // CH, zero_blk, 0)
    plsc.subcore_barrier()

    @pl.when(cid == 0)
    def _():
        pltpu.sync_copy(zh_hbm, pay_v.at[pl.ds(0, CH)])
        pltpu.sync_copy(zh_hbm, pay_v.at[pl.ds(ACH - CH, CH)])

        def pay_init(j, carry):
            one_hot0 = jnp.maximum(1 - lax.iota(jnp.int32, 16), 0).astype(jnp.float32)
            pay_v[j, pl.ds(DE, 16)] = one_hot0
            return carry

        lax.fori_loop(0, ACH, pay_init, 0)

        eabufs = (eablk_a, eablk_b)
        esems = (esem_a, esem_b)

        def aux_load(i, b):
            g = sid + NS * i
            pltpu.sync_copy(dst_hbm.at[pl.ds(g * ACH, ACH)], didxa2.at[b])
            pltpu.async_copy(ear_hbm.at[pl.ds(g * (ACH // 8), ACH // 8)],
                             eabufs[b], esems[b])

        @pl.when(sid < NAUX)
        def _():
            aux_load(0, 0)

        def chunk_aux(i, carry):
            for b in range(2):
                c = 2 * i + b

                @pl.when(sid + NS * c < NAUX)
                def _():
                    pltpu.make_async_copy(
                        ear_hbm.at[pl.ds(0, ACH // 8)], eabufs[b],
                        esems[b]).wait()
                    ob = 1 - b

                    @pl.when(sid + NS * (c + 1) < NAUX)
                    def _():
                        aux_load(c + 1, ob)

                    def unpack_row(r, carry2):
                        for k in range(8):
                            pay_v[r * 8 + k, pl.ds(0, DE)] = eabufs[b][r, pl.ds(k * DE, DE)]
                        return carry2

                    lax.fori_loop(0, ACH // 8, unpack_row, 0)
                    pltpu.sync_copy(pay_v, acc.at[didxa2.at[b]], add=True)

            return carry

        lax.fori_loop(0, (AUXI + 1) // 2, chunk_aux, 0)

    @pl.when(cid == 1)
    def _():
        ebase = sid * EPT
        rowbufs = (rows_a, rows_b)
        gsems = (gsem_a, gsem_b)
        isems = (isem_a, isem_b, isem_c, isem_d)

        def idx_start(c, s):
            base = ebase + c * CH
            pltpu.async_copy(src_hbm.at[pl.ds(base, CH)], sidx2.at[s], isems[s])
            pltpu.async_copy(dst_hbm.at[pl.ds(base, CH)], didx2.at[s], isems[s])

        def idx_wait(s):
            pltpu.make_async_copy(src_hbm.at[pl.ds(0, CH)], sidx2.at[s],
                                  isems[s]).wait()
            pltpu.make_async_copy(dst_hbm.at[pl.ds(0, CH)], didx2.at[s],
                                  isems[s]).wait()

        idx_start(0, 0)
        idx_start(1, 1)
        idx_wait(0)
        pltpu.async_copy(feat_hbm.at[sidx2.at[0]], rowbufs[0], gsems[0])

        def chunk(i, carry):
            for u in range(4):
                c = 4 * i + u
                s = u
                b = u % 2

                @pl.when(c < NCH1)
                def _():
                    s1 = (u + 1) % 4
                    s2 = (u + 2) % 4
                    b1 = (u + 1) % 2

                    @pl.when(c + 2 < NCH1)
                    def _():
                        idx_start(c + 2, s2)

                    @pl.when(c + 1 < NCH1)
                    def _():
                        idx_wait(s1)
                        pltpu.async_copy(feat_hbm.at[sidx2.at[s1]],
                                         rowbufs[b1], gsems[b1])

                    pltpu.make_async_copy(feat_hbm.at[sidx2.at[s]],
                                          rowbufs[b], gsems[b]).wait()
                    pltpu.sync_copy(rowbufs[b], acc.at[didx2.at[s]], add=True)

            return carry

        lax.fori_loop(0, (NCH1 + 3) // 4, chunk, 0)

    plsc.subcore_barrier()

    def wb_blk(j, carry):
        rb = r0 + j * CH
        pltpu.sync_copy(acc.at[pl.ds(rb, CH)], rows_a)
        pltpu.sync_copy(rows_a, out_hbm.at[pl.ds(cid * NP + rb, CH)])
        return carry

    lax.fori_loop(0, ROWS // CH, wb_blk, 0)


def _tc_mlp_body(sc_ref, feat_ref, Wb_ref, bb_ref,
                 W1_ref, b1_ref, W2_ref, b2_ref, g1_ref, be1_ref,
                 g2_ref, be2_ref, out_ref):
    f32 = jnp.float32
    ea = sc_ref[:N, 0:DE]
    deg = sc_ref[:N, DE:DE + 1]
    h1 = sc_ref[NP:NP + N, :]
    h2 = jnp.dot(ea, Wb_ref[...], preferred_element_type=f32) + deg * bb_ref[...]
    t = jnp.dot(h1, W1_ref[...], preferred_element_type=f32) + b1_ref[...] + h2
    t = jnp.maximum(t, 0.0)
    mu = jnp.mean(t, axis=0, keepdims=True)
    var = jnp.mean(t * t, axis=0, keepdims=True) - mu * mu
    t = (t - mu) * lax.rsqrt(var + 1e-5) * g1_ref[...] + be1_ref[...]
    t2 = jnp.dot(t, W2_ref[...], preferred_element_type=f32) + b2_ref[...] + feat_ref[...]
    t2 = jnp.maximum(t2, 0.0)
    mu2 = jnp.mean(t2, axis=0, keepdims=True)
    var2 = jnp.mean(t2 * t2, axis=0, keepdims=True) - mu2 * mu2
    out_ref[...] = (t2 - mu2) * lax.rsqrt(var2 + 1e-5) * g2_ref[...] + be2_ref[...]


_tc_mlp = pl.pallas_call(
    _tc_mlp_body,
    out_shape=jax.ShapeDtypeStruct((N, H), jnp.float32),
)


def kernel(features, edge_index, edge_attr, Wb, bb, W1, b1, W2, b2, g1, be1, g2, be2):
    src = edge_index[0]
    dst = edge_index[1]
    ea_r = edge_attr.reshape(EAR, H)
    zeros_h = jnp.zeros((CH, H), jnp.float32)
    scout = _sc_segment_sums(features, src, dst, ea_r, zeros_h)
    return _tc_mlp(scout, features,
                   Wb, bb.reshape(1, H), W1, b1.reshape(1, H),
                   W2, b2.reshape(1, H), g1.reshape(1, H), be1.reshape(1, H),
                   g2.reshape(1, H), be2.reshape(1, H))

# --- scband reference (transcript-rebuilt; emitter-appended) ---
"""Pipeline reference for scband-structure2-vec-layer-88399016886795 (READ-ONLY COPY).

The authoritative reference and input builder live on the scoring server;
editing this copy changes nothing except your own understanding.
"""

import jax, jax.numpy as jnp
import numpy as np

N = 10000
E = 320000
H = 128
DE = 16


def setup_inputs(seed: int = 0) -> dict:
    key = jax.random.key(seed)
    ks = jax.random.split(key, 10)
    features = jax.random.normal(ks[0], (N, H), dtype=jnp.float32)
    edge_index = jax.random.randint(ks[1], (2, E), 0, N, dtype=jnp.int32)
    edge_attr = jax.random.normal(ks[2], (E, DE), dtype=jnp.float32)
    Wb = jax.random.normal(ks[3], (DE, H), dtype=jnp.float32) * 0.05
    bb = jnp.zeros((H,), dtype=jnp.float32)
    W1 = jax.random.normal(ks[4], (H, H), dtype=jnp.float32) * 0.05
    b1 = jnp.zeros((H,), dtype=jnp.float32)
    W2 = jax.random.normal(ks[5], (H, H), dtype=jnp.float32) * 0.05
    b2 = jnp.zeros((H,), dtype=jnp.float32)
    g1 = jnp.ones((H,), dtype=jnp.float32)
    be1 = jnp.zeros((H,), dtype=jnp.float32)
    g2 = jnp.ones((H,), dtype=jnp.float32)
    be2 = jnp.zeros((H,), dtype=jnp.float32)
    return {"features": features, "edge_index": edge_index, "edge_attr": edge_attr,
            "Wb": Wb, "bb": bb, "W1": W1, "b1": b1, "W2": W2, "b2": b2,
            "g1": g1, "be1": be1, "g2": g2, "be2": be2}


def _batchnorm(x, gamma, beta, eps=1e-5):
    # BatchNorm1d in training mode: biased batch statistics over the node dim
    mu = jnp.mean(x, axis=0)
    var = jnp.var(x, axis=0)
    return (x - mu) / jnp.sqrt(var + eps) * gamma + beta


def reference(features, edge_index, edge_attr, Wb, bb, W1, b1, W2, b2, g1, be1, g2, be2):
    # bond_layer on edge features
    he = edge_attr @ Wb + bb                      # [E, H]
    src = edge_index[0]
    dst = edge_index[1]
    # message passing: sum of source node features and edge embeddings per dst node
    msg_n = features[src]                          # gather [E, H]
    h1 = jax.ops.segment_sum(msg_n, dst, num_segments=N)   # scatter-add
    h2 = jax.ops.segment_sum(he, dst, num_segments=N)      # scatter-add
    # bn_first = False path
    t = jax.nn.relu(h1 @ W1 + b1 + h2)
    t = _batchnorm(t, g1, be1)
    t2 = jax.nn.relu(t @ W2 + b2 + features)
    h = _batchnorm(t2, g2, be2)
    return h

if __name__ == "__main__":
    import jax
    _d = setup_inputs()
    print(jax.jit(kernel)(*tuple(_d.values())))

</pallas_src>

<mosaic_0001>
#map = affine_map<(d0, d1) -> (0, 0)>
#map1 = affine_map<(d0, d1) -> (0)>
module attributes {stable_mosaic.version = 14 : i64} {
  func.func @_sc_segment_sums(%arg0: i32, %arg1: i32, %arg2: memref<10000x128xf32, #tpu.memory_space<hbm>>, %arg3: memref<320000xi32, #tpu.memory_space<hbm>>, %arg4: memref<320000xi32, #tpu.memory_space<hbm>>, %arg5: memref<40000x128xf32, #tpu.memory_space<hbm>>, %arg6: memref<80x128xf32, #tpu.memory_space<hbm>>, %arg7: memref<20480x128xf32, #tpu.memory_space<hbm>>, %arg8: memref<4x80xi32, #tpu.memory_space<vmem>>, %arg9: memref<4x80xi32, #tpu.memory_space<vmem>>, %arg10: memref<2x128xi32, #tpu.memory_space<vmem>>, %arg11: memref<80x128xf32, #tpu.memory_space<vmem>>, %arg12: memref<80x128xf32, #tpu.memory_space<vmem>>, %arg13: memref<16x128xf32, #tpu.memory_space<vmem>>, %arg14: memref<16x128xf32, #tpu.memory_space<vmem>>, %arg15: memref<128x128xf32, #tpu.memory_space<vmem>>, %arg16: memref<10240x128xf32, #tpu.memory_space<vmem_shared>>, %arg17: memref<!tpu.dma_semaphore, #tpu.memory_space<semaphore_mem>>, %arg18: memref<!tpu.dma_semaphore, #tpu.memory_space<semaphore_mem>>, %arg19: memref<!tpu.dma_semaphore, #tpu.memory_space<semaphore_mem>>, %arg20: memref<!tpu.dma_semaphore, #tpu.memory_space<semaphore_mem>>, %arg21: memref<!tpu.dma_semaphore, #tpu.memory_space<semaphore_mem>>, %arg22: memref<!tpu.dma_semaphore, #tpu.memory_space<semaphore_mem>>, %arg23: memref<!tpu.dma_semaphore, #tpu.memory_space<semaphore_mem>>, %arg24: memref<!tpu.dma_semaphore, #tpu.memory_space<semaphore_mem>>) attributes {dimension_semantics = [#tpu.dimension_semantics<core_parallel>, #tpu.dimension_semantics<subcore_parallel>], iteration_bounds = array<i64: 2, 16>, scalar_prefetch = 0 : i64, scratch_operands = 17 : i64, tpu.core_type = #tpu.core_type<sc_vector_subcore>, window_params = [{transform_indices = #map}, {transform_indices = #map1}, {transform_indices = #map1}, {transform_indices = #map}, {transform_indices = #map}, {transform_indices = #map}]} {
    %mul3A = arith.constant 640 : i32
    %mul3A_0 = arith.muli %arg1, %mul3A : i32
    "tpu.region"() ({
      %run_scoped3A = tpu.sem_alloc : memref<!tpu.dma_semaphore, #tpu.memory_space<semaphore_mem>>
      tpu.enqueue_dma source(%arg6 : memref<80x128xf32, #tpu.memory_space<hbm>>) target(%arg11 : memref<80x128xf32, #tpu.memory_space<vmem>>) target_semaphore(%run_scoped3A : memref<!tpu.dma_semaphore, #tpu.memory_space<semaphore_mem>>)
      tpu.wait_dma2 semaphore(%run_scoped3A : memref<!tpu.dma_semaphore, #tpu.memory_space<semaphore_mem>>) src(%arg6 : memref<80x128xf32, #tpu.memory_space<hbm>>) dst(%arg11 : memref<80x128xf32, #tpu.memory_space<vmem>>)
      tpu.yield
    }) : () -> ()
    %scan3A = arith.constant 0 : i32
    %scan3A_1 = arith.constant 0 : i32
    %scan3A_2 = arith.constant 8 : i32
    %scan3A_3 = arith.addi %scan3A_1, %scan3A_2 : i32
    %scan3A_4 = arith.constant 1 : i32
    scf.for %scan3A_20 = %scan3A_1 to %scan3A_3 step %scan3A_4  : i32 {
      %mul3A_21 = arith.constant 80 : i32
      %mul3A_22 = arith.muli %scan3A_20, %mul3A_21 : i32
      %add3A = arith.addi %mul3A_0, %mul3A_22 : i32
      "tpu.region"() ({
        %run_scoped3A = tpu.sem_alloc : memref<!tpu.dma_semaphore, #tpu.memory_space<semaphore_mem>>
        %dma_start3A = arith.constant 0 : i32
        %dma_start3A_23 = tpu.memref_slice %arg16[%add3A, %dma_start3A] : memref<10240x128xf32, #tpu.memory_space<vmem_shared>> -> memref<80x128xf32, #tpu.memory_space<vmem_shared>>
        %dma_start3A_24 = arith.constant 0 : i32
        %dma_start3A_25 = tpu.memref_slice %arg16[%add3A, %dma_start3A_24] : memref<10240x128xf32, #tpu.memory_space<vmem_shared>> -> memref<80x128xf32, #tpu.memory_space<vmem_shared>>
        tpu.enqueue_dma source(%arg11 : memref<80x128xf32, #tpu.memory_space<vmem>>) target(%dma_start3A_25 : memref<80x128xf32, #tpu.memory_space<vmem_shared>>) target_semaphore(%run_scoped3A : memref<!tpu.dma_semaphore, #tpu.memory_space<semaphore_mem>>)
        %dma_wait3A = arith.constant 0 : i32
        %dma_wait3A_26 = tpu.memref_slice %arg16[%add3A, %dma_wait3A] : memref<10240x128xf32, #tpu.memory_space<vmem_shared>> -> memref<80x128xf32, #tpu.memory_space<vmem_shared>>
        %dma_wait3A_27 = arith.constant 0 : i32
        %dma_wait3A_28 = tpu.memref_slice %arg16[%add3A, %dma_wait3A_27] : memref<10240x128xf32, #tpu.memory_space<vmem_shared>> -> memref<80x128xf32, #tpu.memory_space<vmem_shared>>
        tpu.wait_dma2 semaphore(%run_scoped3A : memref<!tpu.dma_semaphore, #tpu.memory_space<semaphore_mem>>) src(%arg11 : memref<80x128xf32, #tpu.memory_space<vmem>>) dst(%dma_wait3A_28 : memref<80x128xf32, #tpu.memory_space<vmem_shared>>)
        tpu.yield
      }) : () -> ()
    }
    %scan3A_5 = arith.constant 8 : i32
    %barrier3A = arith.constant 0 : index
    tpu.barrier barrier_id(%barrier3A)
    %eq3A = arith.constant 0 : i32
    %eq3A_6 = arith.cmpi eq, %arg0, %eq3A : i32
    %convert_element_type3A = arith.extui %eq3A_6 : i1 to i32
    %cond3A = arith.constant 0 : i32
    %cond3A_7 = arith.cmpi ne, %convert_element_type3A, %cond3A : i32
    scf.if %cond3A_7 {
      "tpu.region"() ({
        %run_scoped3A = tpu.sem_alloc : memref<!tpu.dma_semaphore, #tpu.memory_space<semaphore_mem>>
        %dma_start3A = arith.constant 0 : i32
        %dma_start3A_36 = arith.constant 0 : i32
        %dma_start3A_37 = tpu.memref_slice %arg15[%dma_start3A, %dma_start3A_36] : memref<128x128xf32, #tpu.memory_space<vmem>> -> memref<80x128xf32, #tpu.memory_space<vmem>>
        %dma_start3A_38 = arith.constant 0 : i32
        %dma_start3A_39 = arith.constant 0 : i32
        %dma_start3A_40 = tpu.memref_slice %arg15[%dma_start3A_38, %dma_start3A_39] : memref<128x128xf32, #tpu.memory_space<vmem>> -> memref<80x128xf32, #tpu.memory_space<vmem>>
        tpu.enqueue_dma source(%arg6 : memref<80x128xf32, #tpu.memory_space<hbm>>) target(%dma_start3A_40 : memref<80x128xf32, #tpu.memory_space<vmem>>) target_semaphore(%run_scoped3A : memref<!tpu.dma_semaphore, #tpu.memory_space<semaphore_mem>>)
        %dma_wait3A = arith.constant 0 : i32
        %dma_wait3A_41 = arith.constant 0 : i32
        %dma_wait3A_42 = tpu.memref_slice %arg15[%dma_wait3A, %dma_wait3A_41] : memref<128x128xf32, #tpu.memory_space<vmem>> -> memref<80x128xf32, #tpu.memory_space<vmem>>
        %dma_wait3A_43 = arith.constant 0 : i32
        %dma_wait3A_44 = arith.constant 0 : i32
        %dma_wait3A_45 = tpu.memref_slice %arg15[%dma_wait3A_43, %dma_wait3A_44] : memref<128x128xf32, #tpu.memory_space<vmem>> -> memref<80x128xf32, #tpu.memory_space<vmem>>
        tpu.wait_dma2 semaphore(%run_scoped3A : memref<!tpu.dma_semaphore, #tpu.memory_space<semaphore_mem>>) src(%arg6 : memref<80x128xf32, #tpu.memory_space<hbm>>) dst(%dma_wait3A_45 : memref<80x128xf32, #tpu.memory_space<vmem>>)
        tpu.yield
      }) : () -> ()
      "tpu.region"() ({
        %run_scoped3A = tpu.sem_alloc : memref<!tpu.dma_semaphore, #tpu.memory_space<semaphore_mem>>
        %dma_start3A = arith.constant 48 : i32
        %dma_start3A_36 = arith.constant 0 : i32
        %dma_start3A_37 = tpu.memref_slice %arg15[%dma_start3A, %dma_start3A_36] : memref<128x128xf32, #tpu.memory_space<vmem>> -> memref<80x128xf32, #tpu.memory_space<vmem>>
        %dma_start3A_38 = arith.constant 48 : i32
        %dma_start3A_39 = arith.constant 0 : i32
        %dma_start3A_40 = tpu.memref_slice %arg15[%dma_start3A_38, %dma_start3A_39] : memref<128x128xf32, #tpu.memory_space<vmem>> -> memref<80x128xf32, #tpu.memory_space<vmem>>
        tpu.enqueue_dma source(%arg6 : memref<80x128xf32, #tpu.memory_space<hbm>>) target(%dma_start3A_40 : memref<80x128xf32, #tpu.memory_space<vmem>>) target_semaphore(%run_scoped3A : memref<!tpu.dma_semaphore, #tpu.memory_space<semaphore_mem>>)
        %dma_wait3A = arith.constant 48 : i32
        %dma_wait3A_41 = arith.constant 0 : i32
        %dma_wait3A_42 = tpu.memref_slice %arg15[%dma_wait3A, %dma_wait3A_41] : memref<128x128xf32, #tpu.memory_space<vmem>> -> memref<80x128xf32, #tpu.memory_space<vmem>>
        %dma_wait3A_43 = arith.constant 48 : i32
        %dma_wait3A_44 = arith.constant 0 : i32
        %dma_wait3A_45 = tpu.memref_slice %arg15[%dma_wait3A_43, %dma_wait3A_44] : memref<128x128xf32, #tpu.memory_space<vmem>> -> memref<80x128xf32, #tpu.memory_space<vmem>>
        tpu.wait_dma2 semaphore(%run_scoped3A : memref<!tpu.dma_semaphore, #tpu.memory_space<semaphore_mem>>) src(%arg6 : memref<80x128xf32, #tpu.memory_space<hbm>>) dst(%dma_wait3A_45 : memref<80x128xf32, #tpu.memory_space<vmem>>)
        tpu.yield
      }) : () -> ()
      %scan3A_20 = arith.constant 0 : i32
      %scan3A_21 = arith.constant 0 : i32
      %scan3A_22 = arith.constant 128 : i32
      %scan3A_23 = arith.addi %scan3A_21, %scan3A_22 : i32
      %scan3A_24 = arith.constant 1 : i32
      scf.for %scan3A_36 = %scan3A_21 to %scan3A_23 step %scan3A_24  : i32 {
        %iota3A = tpu.iota {dimensions = array<i32: 0>} : vector<16xi32>
        %sub3A = arith.constant 1 : i32
        %sub3A_37 = vector.broadcast %sub3A : i32 to vector<16xi32>
        %sub3A_38 = arith.subi %sub3A_37, %iota3A : vector<16xi32>
        %max3A = arith.constant 0 : i32
        %max3A_39 = vector.broadcast %max3A : i32 to vector<16xi32>
        %max3A_40 = arith.maxsi %sub3A_38, %max3A_39 : vector<16xi32>
        %convert_element_type3A_41 = arith.sitofp %max3A_40 : vector<16xi32> to vector<16xf32>
        %swap3A = arith.index_cast %scan3A_36 : i32 to index
        %swap3A_42 = arith.constant 16 : index
        %swap3A_43 = tpu.vector_load %arg15[%swap3A, %swap3A_42] {strides = array<i32>} : memref<128x128xf32, #tpu.memory_space<vmem>>, vector<1x16xf32>,
        %swap3A_44 = vector.shape_cast %swap3A_43 : vector<1x16xf32> to vector<16xf32>
        %swap3A_45 = vector.shape_cast %convert_element_type3A_41 : vector<16xf32> to vector<1x16xf32>
        tpu.vector_store %arg15[%swap3A, %swap3A_42], %swap3A_45 {strides = array<i32>} : memref<128x128xf32, #tpu.memory_space<vmem>>, vector<1x16xf32>,
      }
      %scan3A_25 = arith.constant 128 : i32
      %lt3A = arith.constant 2500 : i32
      %lt3A_26 = arith.cmpi slt, %arg1, %lt3A : i32
      %convert_element_type3A_27 = arith.extui %lt3A_26 : i1 to i32
      %cond3A_28 = arith.constant 0 : i32
      %cond3A_29 = arith.cmpi ne, %convert_element_type3A_27, %cond3A_28 : i32
      scf.if %cond3A_29 {
        %add3A = arith.constant 0 : i32
        %add3A_36 = arith.addi %arg1, %add3A : i32
        %mul3A_37 = arith.constant 128 : i32
        %mul3A_38 = arith.muli %add3A_36, %mul3A_37 : i32
        %run_scoped3A = arith.constant 0 : i32
        "tpu.region"() ({
          %run_scoped3A_44 = tpu.sem_alloc : memref<!tpu.dma_semaphore, #tpu.memory_space<semaphore_mem>>
          %dma_start3A_45 = arith.constant 0 : i32
          %dma_start3A_46 = tpu.memref_slice %arg10[%run_scoped3A, %dma_start3A_45] : memref<2x128xi32, #tpu.memory_space<vmem>> -> memref<1x128xi32, #tpu.memory_space<vmem>>
          %dma_start3A_47 = tpu.memref_squeeze %dma_start3A_46 : memref<1x128xi32, #tpu.memory_space<vmem>> -> memref<128xi32, #tpu.memory_space<vmem>>
          %dma_start3A_48 = tpu.memref_slice %arg4[%mul3A_38] : memref<320000xi32, #tpu.memory_space<hbm>> -> memref<128xi32, #tpu.memory_space<hbm>>
          %dma_start3A_49 = arith.constant 0 : i32
          %dma_start3A_50 = tpu.memref_slice %arg10[%run_scoped3A, %dma_start3A_49] : memref<2x128xi32, #tpu.memory_space<vmem>> -> memref<1x128xi32, #tpu.memory_space<vmem>>
          %dma_start3A_51 = tpu.memref_squeeze %dma_start3A_50 : memref<1x128xi32, #tpu.memory_space<vmem>> -> memref<128xi32, #tpu.memory_space<vmem>>
          %dma_start3A_52 = tpu.memref_slice %arg4[%mul3A_38] : memref<320000xi32, #tpu.memory_space<hbm>> -> memref<128xi32, #tpu.memory_space<hbm>>
          tpu.enqueue_dma source(%dma_start3A_52 : memref<128xi32, #tpu.memory_space<hbm>>) target(%dma_start3A_51 : memref<128xi32, #tpu.memory_space<vmem>>) target_semaphore(%run_scoped3A_44 : memref<!tpu.dma_semaphore, #tpu.memory_space<semaphore_mem>>)
          %dma_wait3A = arith.constant 0 : i32
          %dma_wait3A_53 = tpu.memref_slice %arg10[%run_scoped3A, %dma_wait3A] : memref<2x128xi32, #tpu.memory_space<vmem>> -> memref<1x128xi32, #tpu.memory_space<vmem>>
          %dma_wait3A_54 = tpu.memref_squeeze %dma_wait3A_53 : memref<1x128xi32, #tpu.memory_space<vmem>> -> memref<128xi32, #tpu.memory_space<vmem>>
          %dma_wait3A_55 = tpu.memref_slice %arg4[%mul3A_38] : memref<320000xi32, #tpu.memory_space<hbm>> -> memref<128xi32, #tpu.memory_space<hbm>>
          %dma_wait3A_56 = arith.constant 0 : i32
          %dma_wait3A_57 = tpu.memref_slice %arg10[%run_scoped3A, %dma_wait3A_56] : memref<2x128xi32, #tpu.memory_space<vmem>> -> memref<1x128xi32, #tpu.memory_space<vmem>>
          %dma_wait3A_58 = tpu.memref_squeeze %dma_wait3A_57 : memref<1x128xi32, #tpu.memory_space<vmem>> -> memref<128xi32, #tpu.memory_space<vmem>>
          %dma_wait3A_59 = tpu.memref_slice %arg4[%mul3A_38] : memref<320000xi32, #tpu.memory_space<hbm>> -> memref<128xi32, #tpu.memory_space<hbm>>
          tpu.wait_dma2 semaphore(%run_scoped3A_44 : memref<!tpu.dma_semaphore, #tpu.memory_space<semaphore_mem>>) src(%dma_wait3A_59 : memref<128xi32, #tpu.memory_space<hbm>>) dst(%dma_wait3A_58 : memref<128xi32, #tpu.memory_space<vmem>>)
          tpu.yield
        }) : () -> ()
        %mul3A_39 = arith.constant 16 : i32
        %mul3A_40 = arith.muli %add3A_36, %mul3A_39 : i32
        %dma_start3A = arith.constant 0 : i32
        %dma_start3A_41 = tpu.memref_slice %arg5[%mul3A_40, %dma_start3A] : memref<40000x128xf32, #tpu.memory_space<hbm>> -> memref<16x128xf32, #tpu.memory_space<hbm>>
        %dma_start3A_42 = arith.constant 0 : i32
        %dma_start3A_43 = tpu.memref_slice %arg5[%mul3A_40, %dma_start3A_42] : memref<40000x128xf32, #tpu.memory_space<hbm>> -> memref<16x128xf32, #tpu.memory_space<hbm>>
        tpu.enqueue_dma source(%dma_start3A_43 : memref<16x128xf32, #tpu.memory_space<hbm>>) target(%arg13 : memref<16x128xf32, #tpu.memory_space<vmem>>) target_semaphore(%arg23 : memref<!tpu.dma_semaphore, #tpu.memory_space<semaphore_mem>>)
      } else {
      }
      %scan3A_30 = arith.constant 0 : i32
      %scan3A_31 = arith.constant 0 : i32
      %scan3A_32 = arith.constant 79 : i32
      %scan3A_33 = arith.addi %scan3A_31, %scan3A_32 : i32
      %scan3A_34 = arith.constant 1 : i32
      scf.for %scan3A_36 = %scan3A_31 to %scan3A_33 step %scan3A_34  : i32 {
        %mul3A_37 = arith.constant 2 : i32
        %mul3A_38 = arith.muli %mul3A_37, %scan3A_36 : i32
        %add3A = arith.constant 0 : i32
        %add3A_39 = arith.addi %mul3A_38, %add3A : i32
        %mul3A_40 = arith.constant 16 : i32
        %mul3A_41 = arith.muli %mul3A_40, %add3A_39 : i32
        %add3A_42 = arith.addi %arg1, %mul3A_41 : i32
        %lt3A_43 = arith.constant 2500 : i32
        %lt3A_44 = arith.cmpi slt, %add3A_42, %lt3A_43 : i32
        %convert_element_type3A_45 = arith.extui %lt3A_44 : i1 to i32
        %cond3A_46 = arith.constant 0 : i32
        %cond3A_47 = arith.cmpi ne, %convert_element_type3A_45, %cond3A_46 : i32
        scf.if %cond3A_47 {
          %dma_wait3A = arith.constant 0 : i32
          %dma_wait3A_60 = arith.constant 0 : i32
          %dma_wait3A_61 = tpu.memref_slice %arg5[%dma_wait3A, %dma_wait3A_60] : memref<40000x128xf32, #tpu.memory_space<hbm>> -> memref<16x128xf32, #tpu.memory_space<hbm>>
          %dma_wait3A_62 = arith.constant 0 : i32
          %dma_wait3A_63 = arith.constant 0 : i32
          %dma_wait3A_64 = tpu.memref_slice %arg5[%dma_wait3A_62, %dma_wait3A_63] : memref<40000x128xf32, #tpu.memory_space<hbm>> -> memref<16x128xf32, #tpu.memory_space<hbm>>
          tpu.wait_dma2 semaphore(%arg23 : memref<!tpu.dma_semaphore, #tpu.memory_space<semaphore_mem>>) src(%dma_wait3A_64 : memref<16x128xf32, #tpu.memory_space<hbm>>) dst(%arg13 : memref<16x128xf32, #tpu.memory_space<vmem>>)
          %add3A_65 = arith.constant 1 : i32
          %add3A_66 = arith.addi %add3A_39, %add3A_65 : i32
          %mul3A_67 = arith.constant 16 : i32
          %mul3A_68 = arith.muli %mul3A_67, %add3A_66 : i32
          %add3A_69 = arith.addi %arg1, %mul3A_68 : i32
          %lt3A_70 = arith.constant 2500 : i32
          %lt3A_71 = arith.cmpi slt, %add3A_69, %lt3A_70 : i32
          %convert_element_type3A_72 = arith.extui %lt3A_71 : i1 to i32
          %cond3A_73 = arith.constant 0 : i32
          %cond3A_74 = arith.cmpi ne, %convert_element_type3A_72, %cond3A_73 : i32
          scf.if %cond3A_74 {
            %add3A_81 = arith.constant 1 : i32
            %add3A_82 = arith.addi %add3A_39, %add3A_81 : i32
            %mul3A_83 = arith.constant 16 : i32
            %mul3A_84 = arith.muli %mul3A_83, %add3A_82 : i32
            %add3A_85 = arith.addi %arg1, %mul3A_84 : i32
            %mul3A_86 = arith.constant 128 : i32
            %mul3A_87 = arith.muli %add3A_85, %mul3A_86 : i32
            %run_scoped3A_88 = arith.constant 1 : i32
            "tpu.region"() ({
              %run_scoped3A_94 = tpu.sem_alloc : memref<!tpu.dma_semaphore, #tpu.memory_space<semaphore_mem>>
              %dma_start3A_95 = arith.constant 0 : i32
              %dma_start3A_96 = tpu.memref_slice %arg10[%run_scoped3A_88, %dma_start3A_95] : memref<2x128xi32, #tpu.memory_space<vmem>> -> memref<1x128xi32, #tpu.memory_space<vmem>>
              %dma_start3A_97 = tpu.memref_squeeze %dma_start3A_96 : memref<1x128xi32, #tpu.memory_space<vmem>> -> memref<128xi32, #tpu.memory_space<vmem>>
              %dma_start3A_98 = tpu.memref_slice %arg4[%mul3A_87] : memref<320000xi32, #tpu.memory_space<hbm>> -> memref<128xi32, #tpu.memory_space<hbm>>
              %dma_start3A_99 = arith.constant 0 : i32
              %dma_start3A_100 = tpu.memref_slice %arg10[%run_scoped3A_88, %dma_start3A_99] : memref<2x128xi32, #tpu.memory_space<vmem>> -> memref<1x128xi32, #tpu.memory_space<vmem>>
              %dma_start3A_101 = tpu.memref_squeeze %dma_start3A_100 : memref<1x128xi32, #tpu.memory_space<vmem>> -> memref<128xi32, #tpu.memory_space<vmem>>
              %dma_start3A_102 = tpu.memref_slice %arg4[%mul3A_87] : memref<320000xi32, #tpu.memory_space<hbm>> -> memref<128xi32, #tpu.memory_space<hbm>>
              tpu.enqueue_dma source(%dma_start3A_102 : memref<128xi32, #tpu.memory_space<hbm>>) target(%dma_start3A_101 : memref<128xi32, #tpu.memory_space<vmem>>) target_semaphore(%run_scoped3A_94 : memref<!tpu.dma_semaphore, #tpu.memory_space<semaphore_mem>>)
              %dma_wait3A_103 = arith.constant 0 : i32
              %dma_wait3A_104 = tpu.memref_slice %arg10[%run_scoped3A_88, %dma_wait3A_103] : memref<2x128xi32, #tpu.memory_space<vmem>> -> memref<1x128xi32, #tpu.memory_space<vmem>>
              %dma_wait3A_105 = tpu.memref_squeeze %dma_wait3A_104 : memref<1x128xi32, #tpu.memory_space<vmem>> -> memref<128xi32, #tpu.memory_space<vmem>>
              %dma_wait3A_106 = tpu.memref_slice %arg4[%mul3A_87] : memref<320000xi32, #tpu.memory_space<hbm>> -> memref<128xi32, #tpu.memory_space<hbm>>
              %dma_wait3A_107 = arith.constant 0 : i32
              %dma_wait3A_108 = tpu.memref_slice %arg10[%run_scoped3A_88, %dma_wait3A_107] : memref<2x128xi32, #tpu.memory_space<vmem>> -> memref<1x128xi32, #tpu.memory_space<vmem>>
              %dma_wait3A_109 = tpu.memref_squeeze %dma_wait3A_108 : memref<1x128xi32, #tpu.memory_space<vmem>> -> memref<128xi32, #tpu.memory_space<vmem>>
              %dma_wait3A_110 = tpu.memref_slice %arg4[%mul3A_87] : memref<320000xi32, #tpu.memory_space<hbm>> -> memref<128xi32, #tpu.memory_space<hbm>>
              tpu.wait_dma2 semaphore(%run_scoped3A_94 : memref<!tpu.dma_semaphore, #tpu.memory_space<semaphore_mem>>) src(%dma_wait3A_110 : memref<128xi32, #tpu.memory_space<hbm>>) dst(%dma_wait3A_109 : memref<128xi32, #tpu.memory_space<vmem>>)
              tpu.yield
            }) : () -> ()
            %mul3A_89 = arith.constant 16 : i32
            %mul3A_90 = arith.muli %add3A_85, %mul3A_89 : i32
            %dma_start3A = arith.constant 0 : i32
            %dma_start3A_91 = tpu.memref_slice %arg5[%mul3A_90, %dma_start3A] : memref<40000x128xf32, #tpu.memory_space<hbm>> -> memref<16x128xf32, #tpu.memory_space<hbm>>
            %dma_start3A_92 = arith.constant 0 : i32
            %dma_start3A_93 = tpu.memref_slice %arg5[%mul3A_90, %dma_start3A_92] : memref<40000x128xf32, #tpu.memory_space<hbm>> -> memref<16x128xf32, #tpu.memory_space<hbm>>
            tpu.enqueue_dma source(%dma_start3A_93 : memref<16x128xf32, #tpu.memory_space<hbm>>) target(%arg14 : memref<16x128xf32, #tpu.memory_space<vmem>>) target_semaphore(%arg24 : memref<!tpu.dma_semaphore, #tpu.memory_space<semaphore_mem>>)
          } else {
          }
          %scan3A_75 = arith.constant 0 : i32
          %scan3A_76 = arith.constant 0 : i32
          %scan3A_77 = arith.constant 16 : i32
          %scan3A_78 = arith.addi %scan3A_76, %scan3A_77 : i32
          %scan3A_79 = arith.constant 1 : i32
          scf.for %scan3A_81 = %scan3A_76 to %scan3A_78 step %scan3A_79  : i32 {
            %get3A = arith.index_cast %scan3A_81 : i32 to index
            %get3A_82 = arith.constant 0 : index
            %get3A_83 = tpu.vector_load %arg13[%get3A, %get3A_82] {strides = array<i32>} : memref<16x128xf32, #tpu.memory_space<vmem>>, vector<1x16xf32>,
            %get3A_84 = vector.shape_cast %get3A_83 : vector<1x16xf32> to vector<16xf32>
            %mul3A_85 = arith.constant 8 : i32
            %mul3A_86 = arith.muli %scan3A_81, %mul3A_85 : i32
            %add3A_87 = arith.constant 0 : i32
            %add3A_88 = arith.addi %mul3A_86, %add3A_87 : i32
            %swap3A = arith.index_cast %add3A_88 : i32 to index
            %swap3A_89 = arith.constant 0 : index
            %swap3A_90 = tpu.vector_load %arg15[%swap3A, %swap3A_89] {strides = array<i32>} : memref<128x128xf32, #tpu.memory_space<vmem>>, vector<1x16xf32>,
            %swap3A_91 = vector.shape_cast %swap3A_90 : vector<1x16xf32> to vector<16xf32>
            %swap3A_92 = vector.shape_cast %get3A_84 : vector<16xf32> to vector<1x16xf32>
            tpu.vector_store %arg15[%swap3A, %swap3A_89], %swap3A_92 {strides = array<i32>} : memref<128x128xf32, #tpu.memory_space<vmem>>, vector<1x16xf32>,
            %get3A_93 = arith.index_cast %scan3A_81 : i32 to index
            %get3A_94 = arith.constant 16 : index
            %get3A_95 = tpu.vector_load %arg13[%get3A_93, %get3A_94] {strides = array<i32>} : memref<16x128xf32, #tpu.memory_space<vmem>>, vector<1x16xf32>,
            %get3A_96 = vector.shape_cast %get3A_95 : vector<1x16xf32> to vector<16xf32>
            %mul3A_97 = arith.constant 8 : i32
            %mul3A_98 = arith.muli %scan3A_81, %mul3A_97 : i32
            %add3A_99 = arith.constant 1 : i32
            %add3A_100 = arith.addi %mul3A_98, %add3A_99 : i32
            %swap3A_101 = arith.index_cast %add3A_100 : i32 to index
            %swap3A_102 = arith.constant 0 : index
            %swap3A_103 = tpu.vector_load %arg15[%swap3A_101, %swap3A_102] {strides = array<i32>} : memref<128x128xf32, #tpu.memory_space<vmem>>, vector<1x16xf32>,
            %swap3A_104 = vector.shape_cast %swap3A_103 : vector<1x16xf32> to vector<16xf32>
            %swap3A_105 = vector.shape_cast %get3A_96 : vector<16xf32> to vector<1x16xf32>
            tpu.vector_store %arg15[%swap3A_101, %swap3A_102], %swap3A_105 {strides = array<i32>} : memref<128x128xf32, #tpu.memory_space<vmem>>, vector<1x16xf32>,
            %get3A_106 = arith.index_cast %scan3A_81 : i32 to index
            %get3A_107 = arith.constant 32 : index
            %get3A_108 = tpu.vector_load %arg13[%get3A_106, %get3A_107] {strides = array<i32>} : memref<16x128xf32, #tpu.memory_space<vmem>>, vector<1x16xf32>,
            %get3A_109 = vector.shape_cast %get3A_108 : vector<1x16xf32> to vector<16xf32>
            %mul3A_110 = arith.constant 8 : i32
            %mul3A_111 = arith.muli %scan3A_81, %mul3A_110 : i32
            %add3A_112 = arith.constant 2 : i32
            %add3A_113 = arith.addi %mul3A_111, %add3A_112 : i32
            %swap3A_114 = arith.index_cast %add3A_113 : i32 to index
            %swap3A_115 = arith.constant 0 : index
            %swap3A_116 = tpu.vector_load %arg15[%swap3A_114, %swap3A_115] {strides = array<i32>} : memref<128x128xf32, #tpu.memory_space<vmem>>, vector<1x16xf32>,
            %swap3A_117 = vector.shape_cast %swap3A_116 : vector<1x16xf32> to vector<16xf32>
            %swap3A_118 = vector.shape_cast %get3A_109 : vector<16xf32> to vector<1x16xf32>
            tpu.vector_store %arg15[%swap3A_114, %swap3A_115], %swap3A_118 {strides = array<i32>} : memref<128x128xf32, #tpu.memory_space<vmem>>, vector<1x16xf32>,
            %get3A_119 = arith.index_cast %scan3A_81 : i32 to index
            %get3A_120 = arith.constant 48 : index
            %get3A_121 = tpu.vector_load %arg13[%get3A_119, %get3A_120] {strides = array<i32>} : memref<16x128xf32, #tpu.memory_space<vmem>>, vector<1x16xf32>,
            %get3A_122 = vector.shape_cast %get3A_121 : vector<1x16xf32> to vector<16xf32>
            %mul3A_123 = arith.constant 8 : i32
            %mul3A_124 = arith.muli %scan3A_81, %mul3A_123 : i32
            %add3A_125 = arith.constant 3 : i32
            %add3A_126 = arith.addi %mul3A_124, %add3A_125 : i32
            %swap3A_127 = arith.index_cast %add3A_126 : i32 to index
            %swap3A_128 = arith.constant 0 : index
            %swap3A_129 = tpu.vector_load %arg15[%swap3A_127, %swap3A_128] {strides = array<i32>} : memref<128x128xf32, #tpu.memory_space<vmem>>, vector<1x16xf32>,
            %swap3A_130 = vector.shape_cast %swap3A_129 : vector<1x16xf32> to vector<16xf32>
            %swap3A_131 = vector.shape_cast %get3A_122 : vector<16xf32> to vector<1x16xf32>
            tpu.vector_store %arg15[%swap3A_127, %swap3A_128], %swap3A_131 {strides = array<i32>} : memref<128x128xf32, #tpu.memory_space<vmem>>, vector<1x16xf32>,
            %get3A_132 = arith.index_cast %scan3A_81 : i32 to index
            %get3A_133 = arith.constant 64 : index
            %get3A_134 = tpu.vector_load %arg13[%get3A_132, %get3A_133] {strides = array<i32>} : memref<16x128xf32, #tpu.memory_space<vmem>>, vector<1x16xf32>,
            %get3A_135 = vector.shape_cast %get3A_134 : vector<1x16xf32> to vector<16xf32>
            %mul3A_136 = arith.constant 8 : i32
            %mul3A_137 = arith.muli %scan3A_81, %mul3A_136 : i32
            %add3A_138 = arith.constant 4 : i32
            %add3A_139 = arith.addi %mul3A_137, %add3A_138 : i32
            %swap3A_140 = arith.index_cast %add3A_139 : i32 to index
            %swap3A_141 = arith.constant 0 : index
            %swap3A_142 = tpu.vector_load %arg15[%swap3A_140, %swap3A_141] {strides = array<i32>} : memref<128x128xf32, #tpu.memory_space<vmem>>, vector<1x16xf32>,
            %swap3A_143 = vector.shape_cast %swap3A_142 : vector<1x16xf32> to vector<16xf32>
            %swap3A_144 = vector.shape_cast %get3A_135 : vector<16xf32> to vector<1x16xf32>
            tpu.vector_store %arg15[%swap3A_140, %swap3A_141], %swap3A_144 {strides = array<i32>} : memref<128x128xf32, #tpu.memory_space<vmem>>, vector<1x16xf32>,
            %get3A_145 = arith.index_cast %scan3A_81 : i32 to index
            %get3A_146 = arith.constant 80 : index
            %get3A_147 = tpu.vector_load %arg13[%get3A_145, %get3A_146] {strides = array<i32>} : memref<16x128xf32, #tpu.memory_space<vmem>>, vector<1x16xf32>,
            %get3A_148 = vector.shape_cast %get3A_147 : vector<1x16xf32> to vector<16xf32>
            %mul3A_149 = arith.constant 8 : i32
            %mul3A_150 = arith.muli %scan3A_81, %mul3A_149 : i32
            %add3A_151 = arith.constant 5 : i32
            %add3A_152 = arith.addi %mul3A_150, %add3A_151 : i32
            %swap3A_153 = arith.index_cast %add3A_152 : i32 to index
            %swap3A_154 = arith.constant 0 : index
            %swap3A_155 = tpu.vector_load %arg15[%swap3A_153, %swap3A_154] {strides = array<i32>} : memref<128x128xf32, #tpu.memory_space<vmem>>, vector<1x16xf32>,
            %swap3A_156 = vector.shape_cast %swap3A_155 : vector<1x16xf32> to vector<16xf32>
            %swap3A_157 = vector.shape_cast %get3A_148 : vector<16xf32> to vector<1x16xf32>
            tpu.vector_store %arg15[%swap3A_153, %swap3A_154], %swap3A_157 {strides = array<i32>} : memref<128x128xf32, #tpu.memory_space<vmem>>, vector<1x16xf32>,
            %get3A_158 = arith.index_cast %scan3A_81 : i32 to index
            %get3A_159 = arith.constant 96 : index
            %get3A_160 = tpu.vector_load %arg13[%get3A_158, %get3A_159] {strides = array<i32>} : memref<16x128xf32, #tpu.memory_space<vmem>>, vector<1x16xf32>,
            %get3A_161 = vector.shape_cast %get3A_160 : vector<1x16xf32> to vector<16xf32>
            %mul3A_162 = arith.constant 8 : i32
            %mul3A_163 = arith.muli %scan3A_81, %mul3A_162 : i32
            %add3A_164 = arith.constant 6 : i32
            %add3A_165 = arith.addi %mul3A_163, %add3A_164 : i32
            %swap3A_166 = arith.index_cast %add3A_165 : i32 to index
            %swap3A_167 = arith.constant 0 : index
            %swap3A_168 = tpu.vector_load %arg15[%swap3A_166, %swap3A_167] {strides = array<i32>} : memref<128x128xf32, #tpu.memory_space<vmem>>, vector<1x16xf32>,
            %swap3A_169 = vector.shape_cast %swap3A_168 : vector<1x16xf32> to vector<16xf32>
            %swap3A_170 = vector.shape_cast %get3A_161 : vector<16xf32> to vector<1x16xf32>
            tpu.vector_store %arg15[%swap3A_166, %swap3A_167], %swap3A_170 {strides = array<i32>} : memref<128x128xf32, #tpu.memory_space<vmem>>, vector<1x16xf32>,
            %get3A_171 = arith.index_cast %scan3A_81 : i32 to index
            %get3A_172 = arith.constant 112 : index
            %get3A_173 = tpu.vector_load %arg13[%get3A_171, %get3A_172] {strides = array<i32>} : memref<16x128xf32, #tpu.memory_space<vmem>>, vector<1x16xf32>,
            %get3A_174 = vector.shape_cast %get3A_173 : vector<1x16xf32> to vector<16xf32>
            %mul3A_175 = arith.constant 8 : i32
            %mul3A_176 = arith.muli %scan3A_81, %mul3A_175 : i32
            %add3A_177 = arith.constant 7 : i32
            %add3A_178 = arith.addi %mul3A_176, %add3A_177 : i32
            %swap3A_179 = arith.index_cast %add3A_178 : i32 to index
            %swap3A_180 = arith.constant 0 : index
            %swap3A_181 = tpu.vector_load %arg15[%swap3A_179, %swap3A_180] {strides = array<i32>} : memref<128x128xf32, #tpu.memory_space<vmem>>, vector<1x16xf32>,
            %swap3A_182 = vector.shape_cast %swap3A_181 : vector<1x16xf32> to vector<16xf32>
            %swap3A_183 = vector.shape_cast %get3A_174 : vector<16xf32> to vector<1x16xf32>
            tpu.vector_store %arg15[%swap3A_179, %swap3A_180], %swap3A_183 {strides = array<i32>} : memref<128x128xf32, #tpu.memory_space<vmem>>, vector<1x16xf32>,
          }
          %scan3A_80 = arith.constant 16 : i32
          %run_scoped3A = arith.constant 0 : i32
          "tpu.region"() ({
            %run_scoped3A_81 = tpu.sem_alloc : memref<!tpu.dma_semaphore, #tpu.memory_space<semaphore_mem>>
            %dma_start3A = arith.constant 0 : i32
            %dma_start3A_82 = tpu.memref_slice %arg10[%run_scoped3A, %dma_start3A] : memref<2x128xi32, #tpu.memory_space<vmem>> -> memref<1x128xi32, #tpu.memory_space<vmem>>
            %dma_start3A_83 = tpu.memref_squeeze %dma_start3A_82 : memref<1x128xi32, #tpu.memory_space<vmem>> -> memref<128xi32, #tpu.memory_space<vmem>>
            %dma_start3A_84 = arith.constant 0 : i32
            %dma_start3A_85 = arith.constant 0 : i32
            %dma_start3A_86 = tpu.memref_slice %arg16[%dma_start3A_84, %dma_start3A_85] : memref<10240x128xf32, #tpu.memory_space<vmem_shared>> -> memref<10240x128xf32, #tpu.memory_space<vmem_shared>>
            tpu.enqueue_indirect_dma source(%arg15 : memref<128x128xf32, #tpu.memory_space<vmem>>) target(%dma_start3A_86 : memref<10240x128xf32, #tpu.memory_space<vmem_shared>>) offsets(%dma_start3A_83 : memref<128xi32, #tpu.memory_space<vmem>>) semaphore(%run_scoped3A_81 : memref<!tpu.dma_semaphore, #tpu.memory_space<semaphore_mem>>) {add = true}
            %dma_wait3A_87 = arith.constant 0 : i32
            %dma_wait3A_88 = tpu.memref_slice %arg10[%run_scoped3A, %dma_wait3A_87] : memref<2x128xi32, #tpu.memory_space<vmem>> -> memref<1x128xi32, #tpu.memory_space<vmem>>
            %dma_wait3A_89 = tpu.memref_squeeze %dma_wait3A_88 : memref<1x128xi32, #tpu.memory_space<vmem>> -> memref<128xi32, #tpu.memory_space<vmem>>
            %dma_wait3A_90 = arith.constant 0 : i32
            %dma_wait3A_91 = arith.constant 0 : i32
            %dma_wait3A_92 = tpu.memref_slice %arg16[%dma_wait3A_90, %dma_wait3A_91] : memref<10240x128xf32, #tpu.memory_space<vmem_shared>> -> memref<10240x128xf32, #tpu.memory_space<vmem_shared>>
            tpu.wait_indirect_dma semaphore(%run_scoped3A_81 : memref<!tpu.dma_semaphore, #tpu.memory_space<semaphore_mem>>) src(%arg15 : memref<128x128xf32, #tpu.memory_space<vmem>>) dst(%dma_wait3A_92 : memref<10240x128xf32, #tpu.memory_space<vmem_shared>>)
            tpu.yield
          }) : () -> ()
        } else {
        }
        %mul3A_48 = arith.constant 2 : i32
        %mul3A_49 = arith.muli %mul3A_48, %scan3A_36 : i32
        %add3A_50 = arith.constant 1 : i32
        %add3A_51 = arith.addi %mul3A_49, %add3A_50 : i32
        %mul3A_52 = arith.constant 16 : i32
        %mul3A_53 = arith.muli %mul3A_52, %add3A_51 : i32
        %add3A_54 = arith.addi %arg1, %mul3A_53 : i32
        %lt3A_55 = arith.constant 2500 : i32
        %lt3A_56 = arith.cmpi slt, %add3A_54, %lt3A_55 : i32
        %convert_element_type3A_57 = arith.extui %lt3A_56 : i1 to i32
        %cond3A_58 = arith.constant 0 : i32
        %cond3A_59 = arith.cmpi ne, %convert_element_type3A_57, %cond3A_58 : i32
        scf.if %cond3A_59 {
          %dma_wait3A = arith.constant 0 : i32
          %dma_wait3A_60 = arith.constant 0 : i32
          %dma_wait3A_61 = tpu.memref_slice %arg5[%dma_wait3A, %dma_wait3A_60] : memref<40000x128xf32, #tpu.memory_space<hbm>> -> memref<16x128xf32, #tpu.memory_space<hbm>>
          %dma_wait3A_62 = arith.constant 0 : i32
          %dma_wait3A_63 = arith.constant 0 : i32
          %dma_wait3A_64 = tpu.memref_slice %arg5[%dma_wait3A_62, %dma_wait3A_63] : memref<40000x128xf32, #tpu.memory_space<hbm>> -> memref<16x128xf32, #tpu.memory_space<hbm>>
          tpu.wait_dma2 semaphore(%arg24 : memref<!tpu.dma_semaphore, #tpu.memory_space<semaphore_mem>>) src(%dma_wait3A_64 : memref<16x128xf32, #tpu.memory_space<hbm>>) dst(%arg14 : memref<16x128xf32, #tpu.memory_space<vmem>>)
          %add3A_65 = arith.constant 1 : i32
          %add3A_66 = arith.addi %add3A_51, %add3A_65 : i32
          %mul3A_67 = arith.constant 16 : i32
          %mul3A_68 = arith.muli %mul3A_67, %add3A_66 : i32
          %add3A_69 = arith.addi %arg1, %mul3A_68 : i32
          %lt3A_70 = arith.constant 2500 : i32
          %lt3A_71 = arith.cmpi slt, %add3A_69, %lt3A_70 : i32
          %convert_element_type3A_72 = arith.extui %lt3A_71 : i1 to i32
          %cond3A_73 = arith.constant 0 : i32
          %cond3A_74 = arith.cmpi ne, %convert_element_type3A_72, %cond3A_73 : i32
          scf.if %cond3A_74 {
            %add3A_81 = arith.constant 1 : i32
            %add3A_82 = arith.addi %add3A_51, %add3A_81 : i32
            %mul3A_83 = arith.constant 16 : i32
            %mul3A_84 = arith.muli %mul3A_83, %add3A_82 : i32
            %add3A_85 = arith.addi %arg1, %mul3A_84 : i32
            %mul3A_86 = arith.constant 128 : i32
            %mul3A_87 = arith.muli %add3A_85, %mul3A_86 : i32
            %run_scoped3A_88 = arith.constant 0 : i32
            "tpu.region"() ({
              %run_scoped3A_94 = tpu.sem_alloc : memref<!tpu.dma_semaphore, #tpu.memory_space<semaphore_mem>>
              %dma_start3A_95 = arith.constant 0 : i32
              %dma_start3A_96 = tpu.memref_slice %arg10[%run_scoped3A_88, %dma_start3A_95] : memref<2x128xi32, #tpu.memory_space<vmem>> -> memref<1x128xi32, #tpu.memory_space<vmem>>
              %dma_start3A_97 = tpu.memref_squeeze %dma_start3A_96 : memref<1x128xi32, #tpu.memory_space<vmem>> -> memref<128xi32, #tpu.memory_space<vmem>>
              %dma_start3A_98 = tpu.memref_slice %arg4[%mul3A_87] : memref<320000xi32, #tpu.memory_space<hbm>> -> memref<128xi32, #tpu.memory_space<hbm>>
              %dma_start3A_99 = arith.constant 0 : i32
              %dma_start3A_100 = tpu.memref_slice %arg10[%run_scoped3A_88, %dma_start3A_99] : memref<2x128xi32, #tpu.memory_space<vmem>> -> memref<1x128xi32, #tpu.memory_space<vmem>>
              %dma_start3A_101 = tpu.memref_squeeze %dma_start3A_100 : memref<1x128xi32, #tpu.memory_space<vmem>> -> memref<128xi32, #tpu.memory_space<vmem>>
              %dma_start3A_102 = tpu.memref_slice %arg4[%mul3A_87] : memref<320000xi32, #tpu.memory_space<hbm>> -> memref<128xi32, #tpu.memory_space<hbm>>
              tpu.enqueue_dma source(%dma_start3A_102 : memref<128xi32, #tpu.memory_space<hbm>>) target(%dma_start3A_101 : memref<128xi32, #tpu.memory_space<vmem>>) target_semaphore(%run_scoped3A_94 : memref<!tpu.dma_semaphore, #tpu.memory_space<semaphore_mem>>)
              %dma_wait3A_103 = arith.constant 0 : i32
              %dma_wait3A_104 = tpu.memref_slice %arg10[%run_scoped3A_88, %dma_wait3A_103] : memref<2x128xi32, #tpu.memory_space<vmem>> -> memref<1x128xi32, #tpu.memory_space<vmem>>
              %dma_wait3A_105 = tpu.memref_squeeze %dma_wait3A_104 : memref<1x128xi32, #tpu.memory_space<vmem>> -> memref<128xi32, #tpu.memory_space<vmem>>
              %dma_wait3A_106 = tpu.memref_slice %arg4[%mul3A_87] : memref<320000xi32, #tpu.memory_space<hbm>> -> memref<128xi32, #tpu.memory_space<hbm>>
              %dma_wait3A_107 = arith.constant 0 : i32
              %dma_wait3A_108 = tpu.memref_slice %arg10[%run_scoped3A_88, %dma_wait3A_107] : memref<2x128xi32, #tpu.memory_space<vmem>> -> memref<1x128xi32, #tpu.memory_space<vmem>>
              %dma_wait3A_109 = tpu.memref_squeeze %dma_wait3A_108 : memref<1x128xi32, #tpu.memory_space<vmem>> -> memref<128xi32, #tpu.memory_space<vmem>>
              %dma_wait3A_110 = tpu.memref_slice %arg4[%mul3A_87] : memref<320000xi32, #tpu.memory_space<hbm>> -> memref<128xi32, #tpu.memory_space<hbm>>
              tpu.wait_dma2 semaphore(%run_scoped3A_94 : memref<!tpu.dma_semaphore, #tpu.memory_space<semaphore_mem>>) src(%dma_wait3A_110 : memref<128xi32, #tpu.memory_space<hbm>>) dst(%dma_wait3A_109 : memref<128xi32, #tpu.memory_space<vmem>>)
              tpu.yield
            }) : () -> ()
            %mul3A_89 = arith.constant 16 : i32
            %mul3A_90 = arith.muli %add3A_85, %mul3A_89 : i32
            %dma_start3A = arith.constant 0 : i32
            %dma_start3A_91 = tpu.memref_slice %arg5[%mul3A_90, %dma_start3A] : memref<40000x128xf32, #tpu.memory_space<hbm>> -> memref<16x128xf32, #tpu.memory_space<hbm>>
            %dma_start3A_92 = arith.constant 0 : i32
            %dma_start3A_93 = tpu.memref_slice %arg5[%mul3A_90, %dma_start3A_92] : memref<40000x128xf32, #tpu.memory_space<hbm>> -> memref<16x128xf32, #tpu.memory_space<hbm>>
            tpu.enqueue_dma source(%dma_start3A_93 : memref<16x128xf32, #tpu.memory_space<hbm>>) target(%arg13 : memref<16x128xf32, #tpu.memory_space<vmem>>) target_semaphore(%arg23 : memref<!tpu.dma_semaphore, #tpu.memory_space<semaphore_mem>>)
          } else {
          }
          %scan3A_75 = arith.constant 0 : i32
          %scan3A_76 = arith.constant 0 : i32
          %scan3A_77 = arith.constant 16 : i32
          %scan3A_78 = arith.addi %scan3A_76, %scan3A_77 : i32
          %scan3A_79 = arith.constant 1 : i32
          scf.for %scan3A_81 = %scan3A_76 to %scan3A_78 step %scan3A_79  : i32 {
            %get3A = arith.index_cast %scan3A_81 : i32 to index
            %get3A_82 = arith.constant 0 : index
            %get3A_83 = tpu.vector_load %arg14[%get3A, %get3A_82] {strides = array<i32>} : memref<16x128xf32, #tpu.memory_space<vmem>>, vector<1x16xf32>,
            %get3A_84 = vector.shape_cast %get3A_83 : vector<1x16xf32> to vector<16xf32>
            %mul3A_85 = arith.constant 8 : i32
            %mul3A_86 = arith.muli %scan3A_81, %mul3A_85 : i32
            %add3A_87 = arith.constant 0 : i32
            %add3A_88 = arith.addi %mul3A_86, %add3A_87 : i32
            %swap3A = arith.index_cast %add3A_88 : i32 to index
            %swap3A_89 = arith.constant 0 : index
            %swap3A_90 = tpu.vector_load %arg15[%swap3A, %swap3A_89] {strides = array<i32>} : memref<128x128xf32, #tpu.memory_space<vmem>>, vector<1x16xf32>,
            %swap3A_91 = vector.shape_cast %swap3A_90 : vector<1x16xf32> to vector<16xf32>
            %swap3A_92 = vector.shape_cast %get3A_84 : vector<16xf32> to vector<1x16xf32>
            tpu.vector_store %arg15[%swap3A, %swap3A_89], %swap3A_92 {strides = array<i32>} : memref<128x128xf32, #tpu.memory_space<vmem>>, vector<1x16xf32>,
            %get3A_93 = arith.index_cast %scan3A_81 : i32 to index
            %get3A_94 = arith.constant 16 : index
            %get3A_95 = tpu.vector_load %arg14[%get3A_93, %get3A_94] {strides = array<i32>} : memref<16x128xf32, #tpu.memory_space<vmem>>, vector<1x16xf32>,
            %get3A_96 = vector.shape_cast %get3A_95 : vector<1x16xf32> to vector<16xf32>
            %mul3A_97 = arith.constant 8 : i32
            %mul3A_98 = arith.muli %scan3A_81, %mul3A_97 : i32
            %add3A_99 = arith.constant 1 : i32
            %add3A_100 = arith.addi %mul3A_98, %add3A_99 : i32
            %swap3A_101 = arith.index_cast %add3A_100 : i32 to index
            %swap3A_102 = arith.constant 0 : index
            %swap3A_103 = tpu.vector_load %arg15[%swap3A_101, %swap3A_102] {strides = array<i32>} : memref<128x128xf32, #tpu.memory_space<vmem>>, vector<1x16xf32>,
            %swap3A_104 = vector.shape_cast %swap3A_103 : vector<1x16xf32> to vector<16xf32>
            %swap3A_105 = vector.shape_cast %get3A_96 : vector<16xf32> to vector<1x16xf32>
            tpu.vector_store %arg15[%swap3A_101, %swap3A_102], %swap3A_105 {strides = array<i32>} : memref<128x128xf32, #tpu.memory_space<vmem>>, vector<1x16xf32>,
            %get3A_106 = arith.index_cast %scan3A_81 : i32 to index
            %get3A_107 = arith.constant 32 : index
            %get3A_108 = tpu.vector_load %arg14[%get3A_106, %get3A_107] {strides = array<i32>} : memref<16x128xf32, #tpu.memory_space<vmem>>, vector<1x16xf32>,
            %get3A_109 = vector.shape_cast %get3A_108 : vector<1x16xf32> to vector<16xf32>
            %mul3A_110 = arith.constant 8 : i32
            %mul3A_111 = arith.muli %scan3A_81, %mul3A_110 : i32
            %add3A_112 = arith.constant 2 : i32
            %add3A_113 = arith.addi %mul3A_111, %add3A_112 : i32
            %swap3A_114 = arith.index_cast %add3A_113 : i32 to index
            %swap3A_115 = arith.constant 0 : index
            %swap3A_116 = tpu.vector_load %arg15[%swap3A_114, %swap3A_115] {strides = array<i32>} : memref<128x128xf32, #tpu.memory_space<vmem>>, vector<1x16xf32>,
            %swap3A_117 = vector.shape_cast %swap3A_116 : vector<1x16xf32> to vector<16xf32>
            %swap3A_118 = vector.shape_cast %get3A_109 : vector<16xf32> to vector<1x16xf32>
            tpu.vector_store %arg15[%swap3A_114, %swap3A_115], %swap3A_118 {strides = array<i32>} : memref<128x128xf32, #tpu.memory_space<vmem>>, vector<1x16xf32>,
            %get3A_119 = arith.index_cast %scan3A_81 : i32 to index
            %get3A_120 = arith.constant 48 : index
            %get3A_121 = tpu.vector_load %arg14[%get3A_119, %get3A_120] {strides = array<i32>} : memref<16x128xf32, #tpu.memory_space<vmem>>, vector<1x16xf32>,
            %get3A_122 = vector.shape_cast %get3A_121 : vector<1x16xf32> to vector<16xf32>
            %mul3A_123 = arith.constant 8 : i32
            %mul3A_124 = arith.muli %scan3A_81, %mul3A_123 : i32
            %add3A_125 = arith.constant 3 : i32
            %add3A_126 = arith.addi %mul3A_124, %add3A_125 : i32
            %swap3A_127 = arith.index_cast %add3A_126 : i32 to index
            %swap3A_128 = arith.constant 0 : index
            %swap3A_129 = tpu.vector_load %arg15[%swap3A_127, %swap3A_128] {strides = array<i32>} : memref<128x128xf32, #tpu.memory_space<vmem>>, vector<1x16xf32>,
            %swap3A_130 = vector.shape_cast %swap3A_129 : vector<1x16xf32> to vector<16xf32>
            %swap3A_131 = vector.shape_cast %get3A_122 : vector<16xf32> to vector<1x16xf32>
            tpu.vector_store %arg15[%swap3A_127, %swap3A_128], %swap3A_131 {strides = array<i32>} : memref<128x128xf32, #tpu.memory_space<vmem>>, vector<1x16xf32>,
            %get3A_132 = arith.index_cast %scan3A_81 : i32 to index
            %get3A_133 = arith.constant 64 : index
            %get3A_134 = tpu.vector_load %arg14[%get3A_132, %get3A_133] {strides = array<i32>} : memref<16x128xf32, #tpu.memory_space<vmem>>, vector<1x16xf32>,
            %get3A_135 = vector.shape_cast %get3A_134 : vector<1x16xf32> to vector<16xf32>
            %mul3A_136 = arith.constant 8 : i32
            %mul3A_137 = arith.muli %scan3A_81, %mul3A_136 : i32
            %add3A_138 = arith.constant 4 : i32
            %add3A_139 = arith.addi %mul3A_137, %add3A_138 : i32
            %swap3A_140 = arith.index_cast %add3A_139 : i32 to index
            %swap3A_141 = arith.constant 0 : index
            %swap3A_142 = tpu.vector_load %arg15[%swap3A_140, %swap3A_141] {strides = array<i32>} : memref<128x128xf32, #tpu.memory_space<vmem>>, vector<1x16xf32>,
            %swap3A_143 = vector.shape_cast %swap3A_142 : vector<1x16xf32> to vector<16xf32>
            %swap3A_144 = vector.shape_cast %get3A_135 : vector<16xf32> to vector<1x16xf32>
            tpu.vector_store %arg15[%swap3A_140, %swap3A_141], %swap3A_144 {strides = array<i32>} : memref<128x128xf32, #tpu.memory_space<vmem>>, vector<1x16xf32>,
            %get3A_145 = arith.index_cast %scan3A_81 : i32 to index
            %get3A_146 = arith.constant 80 : index
            %get3A_147 = tpu.vector_load %arg14[%get3A_145, %get3A_146] {strides = array<i32>} : memref<16x128xf32, #tpu.memory_space<vmem>>, vector<1x16xf32>,
            %get3A_148 = vector.shape_cast %get3A_147 : vector<1x16xf32> to vector<16xf32>
            %mul3A_149 = arith.constant 8 : i32
            %mul3A_150 = arith.muli %scan3A_81, %mul3A_149 : i32
            %add3A_151 = arith.constant 5 : i32
            %add3A_152 = arith.addi %mul3A_150, %add3A_151 : i32
            %swap3A_153 = arith.index_cast %add3A_152 : i32 to index
            %swap3A_154 = arith.constant 0 : index
            %swap3A_155 = tpu.vector_load %arg15[%swap3A_153, %swap3A_154] {strides = array<i32>} : memref<128x128xf32, #tpu.memory_space<vmem>>, vector<1x16xf32>,
            %swap3A_156 = vector.shape_cast %swap3A_155 : vector<1x16xf32> to vector<16xf32>
            %swap3A_157 = vector.shape_cast %get3A_148 : vector<16xf32> to vector<1x16xf32>
            tpu.vector_store %arg15[%swap3A_153, %swap3A_154], %swap3A_157 {strides = array<i32>} : memref<128x128xf32, #tpu.memory_space<vmem>>, vector<1x16xf32>,
            %get3A_158 = arith.index_cast %scan3A_81 : i32 to index
            %get3A_159 = arith.constant 96 : index
            %get3A_160 = tpu.vector_load %arg14[%get3A_158, %get3A_159] {strides = array<i32>} : memref<16x128xf32, #tpu.memory_space<vmem>>, vector<1x16xf32>,
            %get3A_161 = vector.shape_cast %get3A_160 : vector<1x16xf32> to vector<16xf32>
            %mul3A_162 = arith.constant 8 : i32
            %mul3A_163 = arith.muli %scan3A_81, %mul3A_162 : i32
            %add3A_164 = arith.constant 6 : i32
            %add3A_165 = arith.addi %mul3A_163, %add3A_164 : i32
            %swap3A_166 = arith.index_cast %add3A_165 : i32 to index
            %swap3A_167 = arith.constant 0 : index
            %swap3A_168 = tpu.vector_load %arg15[%swap3A_166, %swap3A_167] {strides = array<i32>} : memref<128x128xf32, #tpu.memory_space<vmem>>, vector<1x16xf32>,
            %swap3A_169 = vector.shape_cast %swap3A_168 : vector<1x16xf32> to vector<16xf32>
            %swap3A_170 = vector.shape_cast %get3A_161 : vector<16xf32> to vector<1x16xf32>
            tpu.vector_store %arg15[%swap3A_166, %swap3A_167], %swap3A_170 {strides = array<i32>} : memref<128x128xf32, #tpu.memory_space<vmem>>, vector<1x16xf32>,
            %get3A_171 = arith.index_cast %scan3A_81 : i32 to index
            %get3A_172 = arith.constant 112 : index
            %get3A_173 = tpu.vector_load %arg14[%get3A_171, %get3A_172] {strides = array<i32>} : memref<16x128xf32, #tpu.memory_space<vmem>>, vector<1x16xf32>,
            %get3A_174 = vector.shape_cast %get3A_173 : vector<1x16xf32> to vector<16xf32>
            %mul3A_175 = arith.constant 8 : i32
            %mul3A_176 = arith.muli %scan3A_81, %mul3A_175 : i32
            %add3A_177 = arith.constant 7 : i32
            %add3A_178 = arith.addi %mul3A_176, %add3A_177 : i32
            %swap3A_179 = arith.index_cast %add3A_178 : i32 to index
            %swap3A_180 = arith.constant 0 : index
            %swap3A_181 = tpu.vector_load %arg15[%swap3A_179, %swap3A_180] {strides = array<i32>} : memref<128x128xf32, #tpu.memory_space<vmem>>, vector<1x16xf32>,
            %swap3A_182 = vector.shape_cast %swap3A_181 : vector<1x16xf32> to vector<16xf32>
            %swap3A_183 = vector.shape_cast %get3A_174 : vector<16xf32> to vector<1x16xf32>
            tpu.vector_store %arg15[%swap3A_179, %swap3A_180], %swap3A_183 {strides = array<i32>} : memref<128x128xf32, #tpu.memory_space<vmem>>, vector<1x16xf32>,
          }
          %scan3A_80 = arith.constant 16 : i32
          %run_scoped3A = arith.constant 1 : i32
          "tpu.region"() ({
            %run_scoped3A_81 = tpu.sem_alloc : memref<!tpu.dma_semaphore, #tpu.memory_space<semaphore_mem>>
            %dma_start3A = arith.constant 0 : i32
            %dma_start3A_82 = tpu.memref_slice %arg10[%run_scoped3A, %dma_start3A] : memref<2x128xi32, #tpu.memory_space<vmem>> -> memref<1x128xi32, #tpu.memory_space<vmem>>
            %dma_start3A_83 = tpu.memref_squeeze %dma_start3A_82 : memref<1x128xi32, #tpu.memory_space<vmem>> -> memref<128xi32, #tpu.memory_space<vmem>>
            %dma_start3A_84 = arith.constant 0 : i32
            %dma_start3A_85 = arith.constant 0 : i32
            %dma_start3A_86 = tpu.memref_slice %arg16[%dma_start3A_84, %dma_start3A_85] : memref<10240x128xf32, #tpu.memory_space<vmem_shared>> -> memref<10240x128xf32, #tpu.memory_space<vmem_shared>>
            tpu.enqueue_indirect_dma source(%arg15 : memref<128x128xf32, #tpu.memory_space<vmem>>) target(%dma_start3A_86 : memref<10240x128xf32, #tpu.memory_space<vmem_shared>>) offsets(%dma_start3A_83 : memref<128xi32, #tpu.memory_space<vmem>>) semaphore(%run_scoped3A_81 : memref<!tpu.dma_semaphore, #tpu.memory_space<semaphore_mem>>) {add = true}
            %dma_wait3A_87 = arith.constant 0 : i32
            %dma_wait3A_88 = tpu.memref_slice %arg10[%run_scoped3A, %dma_wait3A_87] : memref<2x128xi32, #tpu.memory_space<vmem>> -> memref<1x128xi32, #tpu.memory_space<vmem>>
            %dma_wait3A_89 = tpu.memref_squeeze %dma_wait3A_88 : memref<1x128xi32, #tpu.memory_space<vmem>> -> memref<128xi32, #tpu.memory_space<vmem>>
            %dma_wait3A_90 = arith.constant 0 : i32
            %dma_wait3A_91 = arith.constant 0 : i32
            %dma_wait3A_92 = tpu.memref_slice %arg16[%dma_wait3A_90, %dma_wait3A_91] : memref<10240x128xf32, #tpu.memory_space<vmem_shared>> -> memref<10240x128xf32, #tpu.memory_space<vmem_shared>>
            tpu.wait_indirect_dma semaphore(%run_scoped3A_81 : memref<!tpu.dma_semaphore, #tpu.memory_space<semaphore_mem>>) src(%arg15 : memref<128x128xf32, #tpu.memory_space<vmem>>) dst(%dma_wait3A_92 : memref<10240x128xf32, #tpu.memory_space<vmem_shared>>)
            tpu.yield
          }) : () -> ()
        } else {
        }
      }
      %scan3A_35 = arith.constant 79 : i32
    } else {
    }
    %eq3A_8 = arith.constant 1 : i32
    %eq3A_9 = arith.cmpi eq, %arg0, %eq3A_8 : i32
    %convert_element_type3A_10 = arith.extui %eq3A_9 : i1 to i32
    %cond3A_11 = arith.constant 0 : i32
    %cond3A_12 = arith.cmpi ne, %convert_element_type3A_10, %cond3A_11 : i32
    scf.if %cond3A_12 {
      %mul3A_20 = arith.constant 20000 : i32
      %mul3A_21 = arith.muli %arg1, %mul3A_20 : i32
      %add3A = arith.constant 0 : i32
      %add3A_22 = arith.addi %mul3A_21, %add3A : i32
      %dma_start3A = arith.constant 0 : i32
      %dma_start3A_23 = arith.constant 0 : i32
      %dma_start3A_24 = tpu.memref_slice %arg8[%dma_start3A, %dma_start3A_23] : memref<4x80xi32, #tpu.memory_space<vmem>> -> memref<1x80xi32, #tpu.memory_space<vmem>>
      %dma_start3A_25 = tpu.memref_squeeze %dma_start3A_24 : memref<1x80xi32, #tpu.memory_space<vmem>> -> memref<80xi32, #tpu.memory_space<vmem>>
      %dma_start3A_26 = tpu.memref_slice %arg3[%add3A_22] : memref<320000xi32, #tpu.memory_space<hbm>> -> memref<80xi32, #tpu.memory_space<hbm>>
      %dma_start3A_27 = arith.constant 0 : i32
      %dma_start3A_28 = tpu.memref_slice %arg8[%dma_start3A, %dma_start3A_27] : memref<4x80xi32, #tpu.memory_space<vmem>> -> memref<1x80xi32, #tpu.memory_space<vmem>>
      %dma_start3A_29 = tpu.memref_squeeze %dma_start3A_28 : memref<1x80xi32, #tpu.memory_space<vmem>> -> memref<80xi32, #tpu.memory_space<vmem>>
      %dma_start3A_30 = tpu.memref_slice %arg3[%add3A_22] : memref<320000xi32, #tpu.memory_space<hbm>> -> memref<80xi32, #tpu.memory_space<hbm>>
      tpu.enqueue_dma source(%dma_start3A_30 : memref<80xi32, #tpu.memory_space<hbm>>) target(%dma_start3A_29 : memref<80xi32, #tpu.memory_space<vmem>>) target_semaphore(%arg19 : memref<!tpu.dma_semaphore, #tpu.memory_space<semaphore_mem>>)
      %dma_start3A_31 = arith.constant 0 : i32
      %dma_start3A_32 = arith.constant 0 : i32
      %dma_start3A_33 = tpu.memref_slice %arg9[%dma_start3A_31, %dma_start3A_32] : memref<4x80xi32, #tpu.memory_space<vmem>> -> memref<1x80xi32, #tpu.memory_space<vmem>>
      %dma_start3A_34 = tpu.memref_squeeze %dma_start3A_33 : memref<1x80xi32, #tpu.memory_space<vmem>> -> memref<80xi32, #tpu.memory_space<vmem>>
      %dma_start3A_35 = tpu.memref_slice %arg4[%add3A_22] : memref<320000xi32, #tpu.memory_space<hbm>> -> memref<80xi32, #tpu.memory_space<hbm>>
      %dma_start3A_36 = arith.constant 0 : i32
      %dma_start3A_37 = tpu.memref_slice %arg9[%dma_start3A_31, %dma_start3A_36] : memref<4x80xi32, #tpu.memory_space<vmem>> -> memref<1x80xi32, #tpu.memory_space<vmem>>
      %dma_start3A_38 = tpu.memref_squeeze %dma_start3A_37 : memref<1x80xi32, #tpu.memory_space<vmem>> -> memref<80xi32, #tpu.memory_space<vmem>>
      %dma_start3A_39 = tpu.memref_slice %arg4[%add3A_22] : memref<320000xi32, #tpu.memory_space<hbm>> -> memref<80xi32, #tpu.memory_space<hbm>>
      tpu.enqueue_dma source(%dma_start3A_39 : memref<80xi32, #tpu.memory_space<hbm>>) target(%dma_start3A_38 : memref<80xi32, #tpu.memory_space<vmem>>) target_semaphore(%arg19 : memref<!tpu.dma_semaphore, #tpu.memory_space<semaphore_mem>>)
      %add3A_40 = arith.constant 80 : i32
      %add3A_41 = arith.addi %mul3A_21, %add3A_40 : i32
      %dma_start3A_42 = arith.constant 1 : i32
      %dma_start3A_43 = arith.constant 0 : i32
      %dma_start3A_44 = tpu.memref_slice %arg8[%dma_start3A_42, %dma_start3A_43] : memref<4x80xi32, #tpu.memory_space<vmem>> -> memref<1x80xi32, #tpu.memory_space<vmem>>
      %dma_start3A_45 = tpu.memref_squeeze %dma_start3A_44 : memref<1x80xi32, #tpu.memory_space<vmem>> -> memref<80xi32, #tpu.memory_space<vmem>>
      %dma_start3A_46 = tpu.memref_slice %arg3[%add3A_41] : memref<320000xi32, #tpu.memory_space<hbm>> -> memref<80xi32, #tpu.memory_space<hbm>>
      %dma_start3A_47 = arith.constant 0 : i32
      %dma_start3A_48 = tpu.memref_slice %arg8[%dma_start3A_42, %dma_start3A_47] : memref<4x80xi32, #tpu.memory_space<vmem>> -> memref<1x80xi32, #tpu.memory_space<vmem>>
      %dma_start3A_49 = tpu.memref_squeeze %dma_start3A_48 : memref<1x80xi32, #tpu.memory_space<vmem>> -> memref<80xi32, #tpu.memory_space<vmem>>
      %dma_start3A_50 = tpu.memref_slice %arg3[%add3A_41] : memref<320000xi32, #tpu.memory_space<hbm>> -> memref<80xi32, #tpu.memory_space<hbm>>
      tpu.enqueue_dma source(%dma_start3A_50 : memref<80xi32, #tpu.memory_space<hbm>>) target(%dma_start3A_49 : memref<80xi32, #tpu.memory_space<vmem>>) target_semaphore(%arg20 : memref<!tpu.dma_semaphore, #tpu.memory_space<semaphore_mem>>)
      %dma_start3A_51 = arith.constant 1 : i32
      %dma_start3A_52 = arith.constant 0 : i32
      %dma_start3A_53 = tpu.memref_slice %arg9[%dma_start3A_51, %dma_start3A_52] : memref<4x80xi32, #tpu.memory_space<vmem>> -> memref<1x80xi32, #tpu.memory_space<vmem>>
      %dma_start3A_54 = tpu.memref_squeeze %dma_start3A_53 : memref<1x80xi32, #tpu.memory_space<vmem>> -> memref<80xi32, #tpu.memory_space<vmem>>
      %dma_start3A_55 = tpu.memref_slice %arg4[%add3A_41] : memref<320000xi32, #tpu.memory_space<hbm>> -> memref<80xi32, #tpu.memory_space<hbm>>
      %dma_start3A_56 = arith.constant 0 : i32
      %dma_start3A_57 = tpu.memref_slice %arg9[%dma_start3A_51, %dma_start3A_56] : memref<4x80xi32, #tpu.memory_space<vmem>> -> memref<1x80xi32, #tpu.memory_space<vmem>>
      %dma_start3A_58 = tpu.memref_squeeze %dma_start3A_57 : memref<1x80xi32, #tpu.memory_space<vmem>> -> memref<80xi32, #tpu.memory_space<vmem>>
      %dma_start3A_59 = tpu.memref_slice %arg4[%add3A_41] : memref<320000xi32, #tpu.memory_space<hbm>> -> memref<80xi32, #tpu.memory_space<hbm>>
      tpu.enqueue_dma source(%dma_start3A_59 : memref<80xi32, #tpu.memory_space<hbm>>) target(%dma_start3A_58 : memref<80xi32, #tpu.memory_space<vmem>>) target_semaphore(%arg20 : memref<!tpu.dma_semaphore, #tpu.memory_space<semaphore_mem>>)
      %dma_wait3A = arith.constant 0 : i32
      %dma_wait3A_60 = arith.constant 0 : i32
      %dma_wait3A_61 = tpu.memref_slice %arg8[%dma_wait3A, %dma_wait3A_60] : memref<4x80xi32, #tpu.memory_space<vmem>> -> memref<1x80xi32, #tpu.memory_space<vmem>>
      %dma_wait3A_62 = tpu.memref_squeeze %dma_wait3A_61 : memref<1x80xi32, #tpu.memory_space<vmem>> -> memref<80xi32, #tpu.memory_space<vmem>>
      %dma_wait3A_63 = arith.constant 0 : i32
      %dma_wait3A_64 = tpu.memref_slice %arg3[%dma_wait3A_63] : memref<320000xi32, #tpu.memory_space<hbm>> -> memref<80xi32, #tpu.memory_space<hbm>>
      %dma_wait3A_65 = arith.constant 0 : i32
      %dma_wait3A_66 = tpu.memref_slice %arg8[%dma_wait3A, %dma_wait3A_65] : memref<4x80xi32, #tpu.memory_space<vmem>> -> memref<1x80xi32, #tpu.memory_space<vmem>>
      %dma_wait3A_67 = tpu.memref_squeeze %dma_wait3A_66 : memref<1x80xi32, #tpu.memory_space<vmem>> -> memref<80xi32, #tpu.memory_space<vmem>>
      %dma_wait3A_68 = arith.constant 0 : i32
      %dma_wait3A_69 = tpu.memref_slice %arg3[%dma_wait3A_68] : memref<320000xi32, #tpu.memory_space<hbm>> -> memref<80xi32, #tpu.memory_space<hbm>>
      tpu.wait_dma2 semaphore(%arg19 : memref<!tpu.dma_semaphore, #tpu.memory_space<semaphore_mem>>) src(%dma_wait3A_69 : memref<80xi32, #tpu.memory_space<hbm>>) dst(%dma_wait3A_67 : memref<80xi32, #tpu.memory_space<vmem>>)
      %dma_wait3A_70 = arith.constant 0 : i32
      %dma_wait3A_71 = arith.constant 0 : i32
      %dma_wait3A_72 = tpu.memref_slice %arg9[%dma_wait3A_70, %dma_wait3A_71] : memref<4x80xi32, #tpu.memory_space<vmem>> -> memref<1x80xi32, #tpu.memory_space<vmem>>
      %dma_wait3A_73 = tpu.memref_squeeze %dma_wait3A_72 : memref<1x80xi32, #tpu.memory_space<vmem>> -> memref<80xi32, #tpu.memory_space<vmem>>
      %dma_wait3A_74 = arith.constant 0 : i32
      %dma_wait3A_75 = tpu.memref_slice %arg4[%dma_wait3A_74] : memref<320000xi32, #tpu.memory_space<hbm>> -> memref<80xi32, #tpu.memory_space<hbm>>
      %dma_wait3A_76 = arith.constant 0 : i32
      %dma_wait3A_77 = tpu.memref_slice %arg9[%dma_wait3A_70, %dma_wait3A_76] : memref<4x80xi32, #tpu.memory_space<vmem>> -> memref<1x80xi32, #tpu.memory_space<vmem>>
      %dma_wait3A_78 = tpu.memref_squeeze %dma_wait3A_77 : memref<1x80xi32, #tpu.memory_space<vmem>> -> memref<80xi32, #tpu.memory_space<vmem>>
      %dma_wait3A_79 = arith.constant 0 : i32
      %dma_wait3A_80 = tpu.memref_slice %arg4[%dma_wait3A_79] : memref<320000xi32, #tpu.memory_space<hbm>> -> memref<80xi32, #tpu.memory_space<hbm>>
      tpu.wait_dma2 semaphore(%arg19 : memref<!tpu.dma_semaphore, #tpu.memory_space<semaphore_mem>>) src(%dma_wait3A_80 : memref<80xi32, #tpu.memory_space<hbm>>) dst(%dma_wait3A_78 : memref<80xi32, #tpu.memory_space<vmem>>)
      %dma_start3A_81 = arith.constant 0 : i32
      %dma_start3A_82 = arith.constant 0 : i32
      %dma_start3A_83 = tpu.memref_slice %arg8[%dma_start3A_81, %dma_start3A_82] : memref<4x80xi32, #tpu.memory_space<vmem>> -> memref<1x80xi32, #tpu.memory_space<vmem>>
      %dma_start3A_84 = tpu.memref_squeeze %dma_start3A_83 : memref<1x80xi32, #tpu.memory_space<vmem>> -> memref<80xi32, #tpu.memory_space<vmem>>
      %dma_start3A_85 = arith.constant 0 : i32
      %dma_start3A_86 = arith.constant 0 : i32
      %dma_start3A_87 = tpu.memref_slice %arg2[%dma_start3A_85, %dma_start3A_86] : memref<10000x128xf32, #tpu.memory_space<hbm>> -> memref<10000x128xf32, #tpu.memory_space<hbm>>
      tpu.enqueue_indirect_dma source(%dma_start3A_87 : memref<10000x128xf32, #tpu.memory_space<hbm>>) target(%arg11 : memref<80x128xf32, #tpu.memory_space<vmem>>) offsets(%dma_start3A_84 : memref<80xi32, #tpu.memory_space<vmem>>) semaphore(%arg17 : memref<!tpu.dma_semaphore, #tpu.memory_space<semaphore_mem>>)
      %scan3A_88 = arith.constant 0 : i32
      %scan3A_89 = arith.constant 0 : i32
      %scan3A_90 = arith.constant 63 : i32
      %scan3A_91 = arith.addi %scan3A_89, %scan3A_90 : i32
      %scan3A_92 = arith.constant 1 : i32
      scf.for %scan3A_94 = %scan3A_89 to %scan3A_91 step %scan3A_92  : i32 {
        %mul3A_95 = arith.constant 4 : i32
        %mul3A_96 = arith.muli %mul3A_95, %scan3A_94 : i32
        %add3A_97 = arith.constant 0 : i32
        %add3A_98 = arith.addi %mul3A_96, %add3A_97 : i32
        %lt3A = arith.constant 250 : i32
        %lt3A_99 = arith.cmpi slt, %add3A_98, %lt3A : i32
        %convert_element_type3A_100 = arith.extui %lt3A_99 : i1 to i32
        %cond3A_101 = arith.constant 0 : i32
        %cond3A_102 = arith.cmpi ne, %convert_element_type3A_100, %cond3A_101 : i32
        scf.if %cond3A_102 {
          %add3A_130 = arith.constant 2 : i32
          %add3A_131 = arith.addi %add3A_98, %add3A_130 : i32
          %lt3A_132 = arith.constant 250 : i32
          %lt3A_133 = arith.cmpi slt, %add3A_131, %lt3A_132 : i32
          %convert_element_type3A_134 = arith.extui %lt3A_133 : i1 to i32
          %cond3A_135 = arith.constant 0 : i32
          %cond3A_136 = arith.cmpi ne, %convert_element_type3A_134, %cond3A_135 : i32
          scf.if %cond3A_136 {
            %add3A_151 = arith.constant 2 : i32
            %add3A_152 = arith.addi %add3A_98, %add3A_151 : i32
            %mul3A_153 = arith.constant 80 : i32
            %mul3A_154 = arith.muli %add3A_152, %mul3A_153 : i32
            %add3A_155 = arith.addi %mul3A_21, %mul3A_154 : i32
            %dma_start3A_156 = arith.constant 2 : i32
            %dma_start3A_157 = arith.constant 0 : i32
            %dma_start3A_158 = tpu.memref_slice %arg8[%dma_start3A_156, %dma_start3A_157] : memref<4x80xi32, #tpu.memory_space<vmem>> -> memref<1x80xi32, #tpu.memory_space<vmem>>
            %dma_start3A_159 = tpu.memref_squeeze %dma_start3A_158 : memref<1x80xi32, #tpu.memory_space<vmem>> -> memref<80xi32, #tpu.memory_space<vmem>>
            %dma_start3A_160 = tpu.memref_slice %arg3[%add3A_155] : memref<320000xi32, #tpu.memory_space<hbm>> -> memref<80xi32, #tpu.memory_space<hbm>>
            %dma_start3A_161 = arith.constant 0 : i32
            %dma_start3A_162 = tpu.memref_slice %arg8[%dma_start3A_156, %dma_start3A_161] : memref<4x80xi32, #tpu.memory_space<vmem>> -> memref<1x80xi32, #tpu.memory_space<vmem>>
            %dma_start3A_163 = tpu.memref_squeeze %dma_start3A_162 : memref<1x80xi32, #tpu.memory_space<vmem>> -> memref<80xi32, #tpu.memory_space<vmem>>
            %dma_start3A_164 = tpu.memref_slice %arg3[%add3A_155] : memref<320000xi32, #tpu.memory_space<hbm>> -> memref<80xi32, #tpu.memory_space<hbm>>
            tpu.enqueue_dma source(%dma_start3A_164 : memref<80xi32, #tpu.memory_space<hbm>>) target(%dma_start3A_163 : memref<80xi32, #tpu.memory_space<vmem>>) target_semaphore(%arg21 : memref<!tpu.dma_semaphore, #tpu.memory_space<semaphore_mem>>)
            %dma_start3A_165 = arith.constant 2 : i32
            %dma_start3A_166 = arith.constant 0 : i32
            %dma_start3A_167 = tpu.memref_slice %arg9[%dma_start3A_165, %dma_start3A_166] : memref<4x80xi32, #tpu.memory_space<vmem>> -> memref<1x80xi32, #tpu.memory_space<vmem>>
            %dma_start3A_168 = tpu.memref_squeeze %dma_start3A_167 : memref<1x80xi32, #tpu.memory_space<vmem>> -> memref<80xi32, #tpu.memory_space<vmem>>
            %dma_start3A_169 = tpu.memref_slice %arg4[%add3A_155] : memref<320000xi32, #tpu.memory_space<hbm>> -> memref<80xi32, #tpu.memory_space<hbm>>
            %dma_start3A_170 = arith.constant 0 : i32
            %dma_start3A_171 = tpu.memref_slice %arg9[%dma_start3A_165, %dma_start3A_170] : memref<4x80xi32, #tpu.memory_space<vmem>> -> memref<1x80xi32, #tpu.memory_space<vmem>>
            %dma_start3A_172 = tpu.memref_squeeze %dma_start3A_171 : memref<1x80xi32, #tpu.memory_space<vmem>> -> memref<80xi32, #tpu.memory_space<vmem>>
            %dma_start3A_173 = tpu.memref_slice %arg4[%add3A_155] : memref<320000xi32, #tpu.memory_space<hbm>> -> memref<80xi32, #tpu.memory_space<hbm>>
            tpu.enqueue_dma source(%dma_start3A_173 : memref<80xi32, #tpu.memory_space<hbm>>) target(%dma_start3A_172 : memref<80xi32, #tpu.memory_space<vmem>>) target_semaphore(%arg21 : memref<!tpu.dma_semaphore, #tpu.memory_space<semaphore_mem>>)
          } else {
          }
          %add3A_137 = arith.constant 1 : i32
          %add3A_138 = arith.addi %add3A_98, %add3A_137 : i32
          %lt3A_139 = arith.constant 250 : i32
          %lt3A_140 = arith.cmpi slt, %add3A_138, %lt3A_139 : i32
          %convert_element_type3A_141 = arith.extui %lt3A_140 : i1 to i32
          %cond3A_142 = arith.constant 0 : i32
          %cond3A_143 = arith.cmpi ne, %convert_element_type3A_141, %cond3A_142 : i32
          scf.if %cond3A_143 {
            %dma_wait3A_151 = arith.constant 1 : i32
            %dma_wait3A_152 = arith.constant 0 : i32
            %dma_wait3A_153 = tpu.memref_slice %arg8[%dma_wait3A_151, %dma_wait3A_152] : memref<4x80xi32, #tpu.memory_space<vmem>> -> memref<1x80xi32, #tpu.memory_space<vmem>>
            %dma_wait3A_154 = tpu.memref_squeeze %dma_wait3A_153 : memref<1x80xi32, #tpu.memory_space<vmem>> -> memref<80xi32, #tpu.memory_space<vmem>>
            %dma_wait3A_155 = arith.constant 0 : i32
            %dma_wait3A_156 = tpu.memref_slice %arg3[%dma_wait3A_155] : memref<320000xi32, #tpu.memory_space<hbm>> -> memref<80xi32, #tpu.memory_space<hbm>>
            %dma_wait3A_157 = arith.constant 0 : i32
            %dma_wait3A_158 = tpu.memref_slice %arg8[%dma_wait3A_151, %dma_wait3A_157] : memref<4x80xi32, #tpu.memory_space<vmem>> -> memref<1x80xi32, #tpu.memory_space<vmem>>
            %dma_wait3A_159 = tpu.memref_squeeze %dma_wait3A_158 : memref<1x80xi32, #tpu.memory_space<vmem>> -> memref<80xi32, #tpu.memory_space<vmem>>
            %dma_wait3A_160 = arith.constant 0 : i32
            %dma_wait3A_161 = tpu.memref_slice %arg3[%dma_wait3A_160] : memref<320000xi32, #tpu.memory_space<hbm>> -> memref<80xi32, #tpu.memory_space<hbm>>
            tpu.wait_dma2 semaphore(%arg20 : memref<!tpu.dma_semaphore, #tpu.memory_space<semaphore_mem>>) src(%dma_wait3A_161 : memref<80xi32, #tpu.memory_space<hbm>>) dst(%dma_wait3A_159 : memref<80xi32, #tpu.memory_space<vmem>>)
            %dma_wait3A_162 = arith.constant 1 : i32
            %dma_wait3A_163 = arith.constant 0 : i32
            %dma_wait3A_164 = tpu.memref_slice %arg9[%dma_wait3A_162, %dma_wait3A_163] : memref<4x80xi32, #tpu.memory_space<vmem>> -> memref<1x80xi32, #tpu.memory_space<vmem>>
            %dma_wait3A_165 = tpu.memref_squeeze %dma_wait3A_164 : memref<1x80xi32, #tpu.memory_space<vmem>> -> memref<80xi32, #tpu.memory_space<vmem>>
            %dma_wait3A_166 = arith.constant 0 : i32
            %dma_wait3A_167 = tpu.memref_slice %arg4[%dma_wait3A_166] : memref<320000xi32, #tpu.memory_space<hbm>> -> memref<80xi32, #tpu.memory_space<hbm>>
            %dma_wait3A_168 = arith.constant 0 : i32
            %dma_wait3A_169 = tpu.memref_slice %arg9[%dma_wait3A_162, %dma_wait3A_168] : memref<4x80xi32, #tpu.memory_space<vmem>> -> memref<1x80xi32, #tpu.memory_space<vmem>>
            %dma_wait3A_170 = tpu.memref_squeeze %dma_wait3A_169 : memref<1x80xi32, #tpu.memory_space<vmem>> -> memref<80xi32, #tpu.memory_space<vmem>>
            %dma_wait3A_171 = arith.constant 0 : i32
            %dma_wait3A_172 = tpu.memref_slice %arg4[%dma_wait3A_171] : memref<320000xi32, #tpu.memory_space<hbm>> -> memref<80xi32, #tpu.memory_space<hbm>>
            tpu.wait_dma2 semaphore(%arg20 : memref<!tpu.dma_semaphore, #tpu.memory_space<semaphore_mem>>) src(%dma_wait3A_172 : memref<80xi32, #tpu.memory_space<hbm>>) dst(%dma_wait3A_170 : memref<80xi32, #tpu.memory_space<vmem>>)
            %dma_start3A_173 = arith.constant 1 : i32
            %dma_start3A_174 = arith.constant 0 : i32
            %dma_start3A_175 = tpu.memref_slice %arg8[%dma_start3A_173, %dma_start3A_174] : memref<4x80xi32, #tpu.memory_space<vmem>> -> memref<1x80xi32, #tpu.memory_space<vmem>>
            %dma_start3A_176 = tpu.memref_squeeze %dma_start3A_175 : memref<1x80xi32, #tpu.memory_space<vmem>> -> memref<80xi32, #tpu.memory_space<vmem>>
            %dma_start3A_177 = arith.constant 0 : i32
            %dma_start3A_178 = arith.constant 0 : i32
            %dma_start3A_179 = tpu.memref_slice %arg2[%dma_start3A_177, %dma_start3A_178] : memref<10000x128xf32, #tpu.memory_space<hbm>> -> memref<10000x128xf32, #tpu.memory_space<hbm>>
            tpu.enqueue_indirect_dma source(%dma_start3A_179 : memref<10000x128xf32, #tpu.memory_space<hbm>>) target(%arg12 : memref<80x128xf32, #tpu.memory_space<vmem>>) offsets(%dma_start3A_176 : memref<80xi32, #tpu.memory_space<vmem>>) semaphore(%arg18 : memref<!tpu.dma_semaphore, #tpu.memory_space<semaphore_mem>>)
          } else {
          }
          %dma_wait3A_144 = arith.constant 0 : i32
          %dma_wait3A_145 = arith.constant 0 : i32
          %dma_wait3A_146 = tpu.memref_slice %arg8[%dma_wait3A_144, %dma_wait3A_145] : memref<4x80xi32, #tpu.memory_space<vmem>> -> memref<1x80xi32, #tpu.memory_space<vmem>>
          %dma_wait3A_147 = tpu.memref_squeeze %dma_wait3A_146 : memref<1x80xi32, #tpu.memory_space<vmem>> -> memref<80xi32, #tpu.memory_space<vmem>>
          %dma_wait3A_148 = arith.constant 0 : i32
          %dma_wait3A_149 = arith.constant 0 : i32
          %dma_wait3A_150 = tpu.memref_slice %arg2[%dma_wait3A_148, %dma_wait3A_149] : memref<10000x128xf32, #tpu.memory_space<hbm>> -> memref<10000x128xf32, #tpu.memory_space<hbm>>
          tpu.wait_indirect_dma semaphore(%arg17 : memref<!tpu.dma_semaphore, #tpu.memory_space<semaphore_mem>>) src(%dma_wait3A_150 : memref<10000x128xf32, #tpu.memory_space<hbm>>) dst(%arg11 : memref<80x128xf32, #tpu.memory_space<vmem>>)
          %run_scoped3A = arith.constant 0 : i32
          "tpu.region"() ({
            %run_scoped3A_151 = tpu.sem_alloc : memref<!tpu.dma_semaphore, #tpu.memory_space<semaphore_mem>>
            %dma_start3A_152 = arith.constant 0 : i32
            %dma_start3A_153 = tpu.memref_slice %arg9[%run_scoped3A, %dma_start3A_152] : memref<4x80xi32, #tpu.memory_space<vmem>> -> memref<1x80xi32, #tpu.memory_space<vmem>>
            %dma_start3A_154 = tpu.memref_squeeze %dma_start3A_153 : memref<1x80xi32, #tpu.memory_space<vmem>> -> memref<80xi32, #tpu.memory_space<vmem>>
            %dma_start3A_155 = arith.constant 0 : i32
            %dma_start3A_156 = arith.constant 0 : i32
            %dma_start3A_157 = tpu.memref_slice %arg16[%dma_start3A_155, %dma_start3A_156] : memref<10240x128xf32, #tpu.memory_space<vmem_shared>> -> memref<10240x128xf32, #tpu.memory_space<vmem_shared>>
            tpu.enqueue_indirect_dma source(%arg11 : memref<80x128xf32, #tpu.memory_space<vmem>>) target(%dma_start3A_157 : memref<10240x128xf32, #tpu.memory_space<vmem_shared>>) offsets(%dma_start3A_154 : memref<80xi32, #tpu.memory_space<vmem>>) semaphore(%run_scoped3A_151 : memref<!tpu.dma_semaphore, #tpu.memory_space<semaphore_mem>>) {add = true}
            %dma_wait3A_158 = arith.constant 0 : i32
            %dma_wait3A_159 = tpu.memref_slice %arg9[%run_scoped3A, %dma_wait3A_158] : memref<4x80xi32, #tpu.memory_space<vmem>> -> memref<1x80xi32, #tpu.memory_space<vmem>>
            %dma_wait3A_160 = tpu.memref_squeeze %dma_wait3A_159 : memref<1x80xi32, #tpu.memory_space<vmem>> -> memref<80xi32, #tpu.memory_space<vmem>>
            %dma_wait3A_161 = arith.constant 0 : i32
            %dma_wait3A_162 = arith.constant 0 : i32
            %dma_wait3A_163 = tpu.memref_slice %arg16[%dma_wait3A_161, %dma_wait3A_162] : memref<10240x128xf32, #tpu.memory_space<vmem_shared>> -> memref<10240x128xf32, #tpu.memory_space<vmem_shared>>
            tpu.wait_indirect_dma semaphore(%run_scoped3A_151 : memref<!tpu.dma_semaphore, #tpu.memory_space<semaphore_mem>>) src(%arg11 : memref<80x128xf32, #tpu.memory_space<vmem>>) dst(%dma_wait3A_163 : memref<10240x128xf32, #tpu.memory_space<vmem_shared>>)
            tpu.yield
          }) : () -> ()
        } else {
        }
        %mul3A_103 = arith.constant 4 : i32
        %mul3A_104 = arith.muli %mul3A_103, %scan3A_94 : i32
        %add3A_105 = arith.constant 1 : i32
        %add3A_106 = arith.addi %mul3A_104, %add3A_105 : i32
        %lt3A_107 = arith.constant 250 : i32
        %lt3A_108 = arith.cmpi slt, %add3A_106, %lt3A_107 : i32
        %convert_element_type3A_109 = arith.extui %lt3A_108 : i1 to i32
        %cond3A_110 = arith.constant 0 : i32
        %cond3A_111 = arith.cmpi ne, %convert_element_type3A_109, %cond3A_110 : i32
        scf.if %cond3A_111 {
          %add3A_130 = arith.constant 2 : i32
          %add3A_131 = arith.addi %add3A_106, %add3A_130 : i32
          %lt3A_132 = arith.constant 250 : i32
          %lt3A_133 = arith.cmpi slt, %add3A_131, %lt3A_132 : i32
          %convert_element_type3A_134 = arith.extui %lt3A_133 : i1 to i32
          %cond3A_135 = arith.constant 0 : i32
          %cond3A_136 = arith.cmpi ne, %convert_element_type3A_134, %cond3A_135 : i32
          scf.if %cond3A_136 {
            %add3A_151 = arith.constant 2 : i32
            %add3A_152 = arith.addi %add3A_106, %add3A_151 : i32
            %mul3A_153 = arith.constant 80 : i32
            %mul3A_154 = arith.muli %add3A_152, %mul3A_153 : i32
            %add3A_155 = arith.addi %mul3A_21, %mul3A_154 : i32
            %dma_start3A_156 = arith.constant 3 : i32
            %dma_start3A_157 = arith.constant 0 : i32
            %dma_start3A_158 = tpu.memref_slice %arg8[%dma_start3A_156, %dma_start3A_157] : memref<4x80xi32, #tpu.memory_space<vmem>> -> memref<1x80xi32, #tpu.memory_space<vmem>>
            %dma_start3A_159 = tpu.memref_squeeze %dma_start3A_158 : memref<1x80xi32, #tpu.memory_space<vmem>> -> memref<80xi32, #tpu.memory_space<vmem>>
            %dma_start3A_160 = tpu.memref_slice %arg3[%add3A_155] : memref<320000xi32, #tpu.memory_space<hbm>> -> memref<80xi32, #tpu.memory_space<hbm>>
            %dma_start3A_161 = arith.constant 0 : i32
            %dma_start3A_162 = tpu.memref_slice %arg8[%dma_start3A_156, %dma_start3A_161] : memref<4x80xi32, #tpu.memory_space<vmem>> -> memref<1x80xi32, #tpu.memory_space<vmem>>
            %dma_start3A_163 = tpu.memref_squeeze %dma_start3A_162 : memref<1x80xi32, #tpu.memory_space<vmem>> -> memref<80xi32, #tpu.memory_space<vmem>>
            %dma_start3A_164 = tpu.memref_slice %arg3[%add3A_155] : memref<320000xi32, #tpu.memory_space<hbm>> -> memref<80xi32, #tpu.memory_space<hbm>>
            tpu.enqueue_dma source(%dma_start3A_164 : memref<80xi32, #tpu.memory_space<hbm>>) target(%dma_start3A_163 : memref<80xi32, #tpu.memory_space<vmem>>) target_semaphore(%arg22 : memref<!tpu.dma_semaphore, #tpu.memory_space<semaphore_mem>>)
            %dma_start3A_165 = arith.constant 3 : i32
            %dma_start3A_166 = arith.constant 0 : i32
            %dma_start3A_167 = tpu.memref_slice %arg9[%dma_start3A_165, %dma_start3A_166] : memref<4x80xi32, #tpu.memory_space<vmem>> -> memref<1x80xi32, #tpu.memory_space<vmem>>
            %dma_start3A_168 = tpu.memref_squeeze %dma_start3A_167 : memref<1x80xi32, #tpu.memory_space<vmem>> -> memref<80xi32, #tpu.memory_space<vmem>>
            %dma_start3A_169 = tpu.memref_slice %arg4[%add3A_155] : memref<320000xi32, #tpu.memory_space<hbm>> -> memref<80xi32, #tpu.memory_space<hbm>>
            %dma_start3A_170 = arith.constant 0 : i32
            %dma_start3A_171 = tpu.memref_slice %arg9[%dma_start3A_165, %dma_start3A_170] : memref<4x80xi32, #tpu.memory_space<vmem>> -> memref<1x80xi32, #tpu.memory_space<vmem>>
            %dma_start3A_172 = tpu.memref_squeeze %dma_start3A_171 : memref<1x80xi32, #tpu.memory_space<vmem>> -> memref<80xi32, #tpu.memory_space<vmem>>
            %dma_start3A_173 = tpu.memref_slice %arg4[%add3A_155] : memref<320000xi32, #tpu.memory_space<hbm>> -> memref<80xi32, #tpu.memory_space<hbm>>
            tpu.enqueue_dma source(%dma_start3A_173 : memref<80xi32, #tpu.memory_space<hbm>>) target(%dma_start3A_172 : memref<80xi32, #tpu.memory_space<vmem>>) target_semaphore(%arg22 : memref<!tpu.dma_semaphore, #tpu.memory_space<semaphore_mem>>)
          } else {
          }
          %add3A_137 = arith.constant 1 : i32
          %add3A_138 = arith.addi %add3A_106, %add3A_137 : i32
          %lt3A_139 = arith.constant 250 : i32
          %lt3A_140 = arith.cmpi slt, %add3A_138, %lt3A_139 : i32
          %convert_element_type3A_141 = arith.extui %lt3A_140 : i1 to i32
          %cond3A_142 = arith.constant 0 : i32
          %cond3A_143 = arith.cmpi ne, %convert_element_type3A_141, %cond3A_142 : i32
          scf.if %cond3A_143 {
            %dma_wait3A_151 = arith.constant 2 : i32
            %dma_wait3A_152 = arith.constant 0 : i32
            %dma_wait3A_153 = tpu.memref_slice %arg8[%dma_wait3A_151, %dma_wait3A_152] : memref<4x80xi32, #tpu.memory_space<vmem>> -> memref<1x80xi32, #tpu.memory_space<vmem>>
            %dma_wait3A_154 = tpu.memref_squeeze %dma_wait3A_153 : memref<1x80xi32, #tpu.memory_space<vmem>> -> memref<80xi32, #tpu.memory_space<vmem>>
            %dma_wait3A_155 = arith.constant 0 : i32
            %dma_wait3A_156 = tpu.memref_slice %arg3[%dma_wait3A_155] : memref<320000xi32, #tpu.memory_space<hbm>> -> memref<80xi32, #tpu.memory_space<hbm>>
            %dma_wait3A_157 = arith.constant 0 : i32
            %dma_wait3A_158 = tpu.memref_slice %arg8[%dma_wait3A_151, %dma_wait3A_157] : memref<4x80xi32, #tpu.memory_space<vmem>> -> memref<1x80xi32, #tpu.memory_space<vmem>>
            %dma_wait3A_159 = tpu.memref_squeeze %dma_wait3A_158 : memref<1x80xi32, #tpu.memory_space<vmem>> -> memref<80xi32, #tpu.memory_space<vmem>>
            %dma_wait3A_160 = arith.constant 0 : i32
            %dma_wait3A_161 = tpu.memref_slice %arg3[%dma_wait3A_160] : memref<320000xi32, #tpu.memory_space<hbm>> -> memref<80xi32, #tpu.memory_space<hbm>>
            tpu.wait_dma2 semaphore(%arg21 : memref<!tpu.dma_semaphore, #tpu.memory_space<semaphore_mem>>) src(%dma_wait3A_161 : memref<80xi32, #tpu.memory_space<hbm>>) dst(%dma_wait3A_159 : memref<80xi32, #tpu.memory_space<vmem>>)
            %dma_wait3A_162 = arith.constant 2 : i32
            %dma_wait3A_163 = arith.constant 0 : i32
            %dma_wait3A_164 = tpu.memref_slice %arg9[%dma_wait3A_162, %dma_wait3A_163] : memref<4x80xi32, #tpu.memory_space<vmem>> -> memref<1x80xi32, #tpu.memory_space<vmem>>
            %dma_wait3A_165 = tpu.memref_squeeze %dma_wait3A_164 : memref<1x80xi32, #tpu.memory_space<vmem>> -> memref<80xi32, #tpu.memory_space<vmem>>
            %dma_wait3A_166 = arith.constant 0 : i32
            %dma_wait3A_167 = tpu.memref_slice %arg4[%dma_wait3A_166] : memref<320000xi32, #tpu.memory_space<hbm>> -> memref<80xi32, #tpu.memory_space<hbm>>
            %dma_wait3A_168 = arith.constant 0 : i32
            %dma_wait3A_169 = tpu.memref_slice %arg9[%dma_wait3A_162, %dma_wait3A_168] : memref<4x80xi32, #tpu.memory_space<vmem>> -> memref<1x80xi32, #tpu.memory_space<vmem>>
            %dma_wait3A_170 = tpu.memref_squeeze %dma_wait3A_169 : memref<1x80xi32, #tpu.memory_space<vmem>> -> memref<80xi32, #tpu.memory_space<vmem>>
            %dma_wait3A_171 = arith.constant 0 : i32
            %dma_wait3A_172 = tpu.memref_slice %arg4[%dma_wait3A_171] : memref<320000xi32, #tpu.memory_space<hbm>> -> memref<80xi32, #tpu.memory_space<hbm>>
            tpu.wait_dma2 semaphore(%arg21 : memref<!tpu.dma_semaphore, #tpu.memory_space<semaphore_mem>>) src(%dma_wait3A_172 : memref<80xi32, #tpu.memory_space<hbm>>) dst(%dma_wait3A_170 : memref<80xi32, #tpu.memory_space<vmem>>)
            %dma_start3A_173 = arith.constant 2 : i32
            %dma_start3A_174 = arith.constant 0 : i32
            %dma_start3A_175 = tpu.memref_slice %arg8[%dma_start3A_173, %dma_start3A_174] : memref<4x80xi32, #tpu.memory_space<vmem>> -> memref<1x80xi32, #tpu.memory_space<vmem>>
            %dma_start3A_176 = tpu.memref_squeeze %dma_start3A_175 : memref<1x80xi32, #tpu.memory_space<vmem>> -> memref<80xi32, #tpu.memory_space<vmem>>
            %dma_start3A_177 = arith.constant 0 : i32
            %dma_start3A_178 = arith.constant 0 : i32
            %dma_start3A_179 = tpu.memref_slice %arg2[%dma_start3A_177, %dma_start3A_178] : memref<10000x128xf32, #tpu.memory_space<hbm>> -> memref<10000x128xf32, #tpu.memory_space<hbm>>
            tpu.enqueue_indirect_dma source(%dma_start3A_179 : memref<10000x128xf32, #tpu.memory_space<hbm>>) target(%arg11 : memref<80x128xf32, #tpu.memory_space<vmem>>) offsets(%dma_start3A_176 : memref<80xi32, #tpu.memory_space<vmem>>) semaphore(%arg17 : memref<!tpu.dma_semaphore, #tpu.memory_space<semaphore_mem>>)
          } else {
          }
          %dma_wait3A_144 = arith.constant 1 : i32
          %dma_wait3A_145 = arith.constant 0 : i32
          %dma_wait3A_146 = tpu.memref_slice %arg8[%dma_wait3A_144, %dma_wait3A_145] : memref<4x80xi32, #tpu.memory_space<vmem>> -> memref<1x80xi32, #tpu.memory_space<vmem>>
          %dma_wait3A_147 = tpu.memref_squeeze %dma_wait3A_146 : memref<1x80xi32, #tpu.memory_space<vmem>> -> memref<80xi32, #tpu.memory_space<vmem>>
          %dma_wait3A_148 = arith.constant 0 : i32
          %dma_wait3A_149 = arith.constant 0 : i32
          %dma_wait3A_150 = tpu.memref_slice %arg2[%dma_wait3A_148, %dma_wait3A_149] : memref<10000x128xf32, #tpu.memory_space<hbm>> -> memref<10000x128xf32, #tpu.memory_space<hbm>>
          tpu.wait_indirect_dma semaphore(%arg18 : memref<!tpu.dma_semaphore, #tpu.memory_space<semaphore_mem>>) src(%dma_wait3A_150 : memref<10000x128xf32, #tpu.memory_space<hbm>>) dst(%arg12 : memref<80x128xf32, #tpu.memory_space<vmem>>)
          %run_scoped3A = arith.constant 1 : i32
          "tpu.region"() ({
            %run_scoped3A_151 = tpu.sem_alloc : memref<!tpu.dma_semaphore, #tpu.memory_space<semaphore_mem>>
            %dma_start3A_152 = arith.constant 0 : i32
            %dma_start3A_153 = tpu.memref_slice %arg9[%run_scoped3A, %dma_start3A_152] : memref<4x80xi32, #tpu.memory_space<vmem>> -> memref<1x80xi32, #tpu.memory_space<vmem>>
            %dma_start3A_154 = tpu.memref_squeeze %dma_start3A_153 : memref<1x80xi32, #tpu.memory_space<vmem>> -> memref<80xi32, #tpu.memory_space<vmem>>
            %dma_start3A_155 = arith.constant 0 : i32
            %dma_start3A_156 = arith.constant 0 : i32
            %dma_start3A_157 = tpu.memref_slice %arg16[%dma_start3A_155, %dma_start3A_156] : memref<10240x128xf32, #tpu.memory_space<vmem_shared>> -> memref<10240x128xf32, #tpu.memory_space<vmem_shared>>
            tpu.enqueue_indirect_dma source(%arg12 : memref<80x128xf32, #tpu.memory_space<vmem>>) target(%dma_start3A_157 : memref<10240x128xf32, #tpu.memory_space<vmem_shared>>) offsets(%dma_start3A_154 : memref<80xi32, #tpu.memory_space<vmem>>) semaphore(%run_scoped3A_151 : memref<!tpu.dma_semaphore, #tpu.memory_space<semaphore_mem>>) {add = true}
            %dma_wait3A_158 = arith.constant 0 : i32
            %dma_wait3A_159 = tpu.memref_slice %arg9[%run_scoped3A, %dma_wait3A_158] : memref<4x80xi32, #tpu.memory_space<vmem>> -> memref<1x80xi32, #tpu.memory_space<vmem>>
            %dma_wait3A_160 = tpu.memref_squeeze %dma_wait3A_159 : memref<1x80xi32, #tpu.memory_space<vmem>> -> memref<80xi32, #tpu.memory_space<vmem>>
            %dma_wait3A_161 = arith.constant 0 : i32
            %dma_wait3A_162 = arith.constant 0 : i32
            %dma_wait3A_163 = tpu.memref_slice %arg16[%dma_wait3A_161, %dma_wait3A_162] : memref<10240x128xf32, #tpu.memory_space<vmem_shared>> -> memref<10240x128xf32, #tpu.memory_space<vmem_shared>>
            tpu.wait_indirect_dma semaphore(%run_scoped3A_151 : memref<!tpu.dma_semaphore, #tpu.memory_space<semaphore_mem>>) src(%arg12 : memref<80x128xf32, #tpu.memory_space<vmem>>) dst(%dma_wait3A_163 : memref<10240x128xf32, #tpu.memory_space<vmem_shared>>)
            tpu.yield
          }) : () -> ()
        } else {
        }
        %mul3A_112 = arith.constant 4 : i32
        %mul3A_113 = arith.muli %mul3A_112, %scan3A_94 : i32
        %add3A_114 = arith.constant 2 : i32
        %add3A_115 = arith.addi %mul3A_113, %add3A_114 : i32
        %lt3A_116 = arith.constant 250 : i32
        %lt3A_117 = arith.cmpi slt, %add3A_115, %lt3A_116 : i32
        %convert_element_type3A_118 = arith.extui %lt3A_117 : i1 to i32
        %cond3A_119 = arith.constant 0 : i32
        %cond3A_120 = arith.cmpi ne, %convert_element_type3A_118, %cond3A_119 : i32
        scf.if %cond3A_120 {
          %add3A_130 = arith.constant 2 : i32
          %add3A_131 = arith.addi %add3A_115, %add3A_130 : i32
          %lt3A_132 = arith.constant 250 : i32
          %lt3A_133 = arith.cmpi slt, %add3A_131, %lt3A_132 : i32
          %convert_element_type3A_134 = arith.extui %lt3A_133 : i1 to i32
          %cond3A_135 = arith.constant 0 : i32
          %cond3A_136 = arith.cmpi ne, %convert_element_type3A_134, %cond3A_135 : i32
          scf.if %cond3A_136 {
            %add3A_151 = arith.constant 2 : i32
            %add3A_152 = arith.addi %add3A_115, %add3A_151 : i32
            %mul3A_153 = arith.constant 80 : i32
            %mul3A_154 = arith.muli %add3A_152, %mul3A_153 : i32
            %add3A_155 = arith.addi %mul3A_21, %mul3A_154 : i32
            %dma_start3A_156 = arith.constant 0 : i32
            %dma_start3A_157 = arith.constant 0 : i32
            %dma_start3A_158 = tpu.memref_slice %arg8[%dma_start3A_156, %dma_start3A_157] : memref<4x80xi32, #tpu.memory_space<vmem>> -> memref<1x80xi32, #tpu.memory_space<vmem>>
            %dma_start3A_159 = tpu.memref_squeeze %dma_start3A_158 : memref<1x80xi32, #tpu.memory_space<vmem>> -> memref<80xi32, #tpu.memory_space<vmem>>
            %dma_start3A_160 = tpu.memref_slice %arg3[%add3A_155] : memref<320000xi32, #tpu.memory_space<hbm>> -> memref<80xi32, #tpu.memory_space<hbm>>
            %dma_start3A_161 = arith.constant 0 : i32
            %dma_start3A_162 = tpu.memref_slice %arg8[%dma_start3A_156, %dma_start3A_161] : memref<4x80xi32, #tpu.memory_space<vmem>> -> memref<1x80xi32, #tpu.memory_space<vmem>>
            %dma_start3A_163 = tpu.memref_squeeze %dma_start3A_162 : memref<1x80xi32, #tpu.memory_space<vmem>> -> memref<80xi32, #tpu.memory_space<vmem>>
            %dma_start3A_164 = tpu.memref_slice %arg3[%add3A_155] : memref<320000xi32, #tpu.memory_space<hbm>> -> memref<80xi32, #tpu.memory_space<hbm>>
            tpu.enqueue_dma source(%dma_start3A_164 : memref<80xi32, #tpu.memory_space<hbm>>) target(%dma_start3A_163 : memref<80xi32, #tpu.memory_space<vmem>>) target_semaphore(%arg19 : memref<!tpu.dma_semaphore, #tpu.memory_space<semaphore_mem>>)
            %dma_start3A_165 = arith.constant 0 : i32
            %dma_start3A_166 = arith.constant 0 : i32
            %dma_start3A_167 = tpu.memref_slice %arg9[%dma_start3A_165, %dma_start3A_166] : memref<4x80xi32, #tpu.memory_space<vmem>> -> memref<1x80xi32, #tpu.memory_space<vmem>>
            %dma_start3A_168 = tpu.memref_squeeze %dma_start3A_167 : memref<1x80xi32, #tpu.memory_space<vmem>> -> memref<80xi32, #tpu.memory_space<vmem>>
            %dma_start3A_169 = tpu.memref_slice %arg4[%add3A_155] : memref<320000xi32, #tpu.memory_space<hbm>> -> memref<80xi32, #tpu.memory_space<hbm>>
            %dma_start3A_170 = arith.constant 0 : i32
            %dma_start3A_171 = tpu.memref_slice %arg9[%dma_start3A_165, %dma_start3A_170] : memref<4x80xi32, #tpu.memory_space<vmem>> -> memref<1x80xi32, #tpu.memory_space<vmem>>
            %dma_start3A_172 = tpu.memref_squeeze %dma_start3A_171 : memref<1x80xi32, #tpu.memory_space<vmem>> -> memref<80xi32, #tpu.memory_space<vmem>>
            %dma_start3A_173 = tpu.memref_slice %arg4[%add3A_155] : memref<320000xi32, #tpu.memory_space<hbm>> -> memref<80xi32, #tpu.memory_space<hbm>>
            tpu.enqueue_dma source(%dma_start3A_173 : memref<80xi32, #tpu.memory_space<hbm>>) target(%dma_start3A_172 : memref<80xi32, #tpu.memory_space<vmem>>) target_semaphore(%arg19 : memref<!tpu.dma_semaphore, #tpu.memory_space<semaphore_mem>>)
          } else {
          }
          %add3A_137 = arith.constant 1 : i32
          %add3A_138 = arith.addi %add3A_115, %add3A_137 : i32
          %lt3A_139 = arith.constant 250 : i32
          %lt3A_140 = arith.cmpi slt, %add3A_138, %lt3A_139 : i32
          %convert_element_type3A_141 = arith.extui %lt3A_140 : i1 to i32
          %cond3A_142 = arith.constant 0 : i32
          %cond3A_143 = arith.cmpi ne, %convert_element_type3A_141, %cond3A_142 : i32
          scf.if %cond3A_143 {
            %dma_wait3A_151 = arith.constant 3 : i32
            %dma_wait3A_152 = arith.constant 0 : i32
            %dma_wait3A_153 = tpu.memref_slice %arg8[%dma_wait3A_151, %dma_wait3A_152] : memref<4x80xi32, #tpu.memory_space<vmem>> -> memref<1x80xi32, #tpu.memory_space<vmem>>
            %dma_wait3A_154 = tpu.memref_squeeze %dma_wait3A_153 : memref<1x80xi32, #tpu.memory_space<vmem>> -> memref<80xi32, #tpu.memory_space<vmem>>
            %dma_wait3A_155 = arith.constant 0 : i32
            %dma_wait3A_156 = tpu.memref_slice %arg3[%dma_wait3A_155] : memref<320000xi32, #tpu.memory_space<hbm>> -> memref<80xi32, #tpu.memory_space<hbm>>
            %dma_wait3A_157 = arith.constant 0 : i32
            %dma_wait3A_158 = tpu.memref_slice %arg8[%dma_wait3A_151, %dma_wait3A_157] : memref<4x80xi32, #tpu.memory_space<vmem>> -> memref<1x80xi32, #tpu.memory_space<vmem>>
            %dma_wait3A_159 = tpu.memref_squeeze %dma_wait3A_158 : memref<1x80xi32, #tpu.memory_space<vmem>> -> memref<80xi32, #tpu.memory_space<vmem>>
            %dma_wait3A_160 = arith.constant 0 : i32
            %dma_wait3A_161 = tpu.memref_slice %arg3[%dma_wait3A_160] : memref<320000xi32, #tpu.memory_space<hbm>> -> memref<80xi32, #tpu.memory_space<hbm>>
            tpu.wait_dma2 semaphore(%arg22 : memref<!tpu.dma_semaphore, #tpu.memory_space<semaphore_mem>>) src(%dma_wait3A_161 : memref<80xi32, #tpu.memory_space<hbm>>) dst(%dma_wait3A_159 : memref<80xi32, #tpu.memory_space<vmem>>)
            %dma_wait3A_162 = arith.constant 3 : i32
            %dma_wait3A_163 = arith.constant 0 : i32
            %dma_wait3A_164 = tpu.memref_slice %arg9[%dma_wait3A_162, %dma_wait3A_163] : memref<4x80xi32, #tpu.memory_space<vmem>> -> memref<1x80xi32, #tpu.memory_space<vmem>>
            %dma_wait3A_165 = tpu.memref_squeeze %dma_wait3A_164 : memref<1x80xi32, #tpu.memory_space<vmem>> -> memref<80xi32, #tpu.memory_space<vmem>>
            %dma_wait3A_166 = arith.constant 0 : i32
            %dma_wait3A_167 = tpu.memref_slice %arg4[%dma_wait3A_166] : memref<320000xi32, #tpu.memory_space<hbm>> -> memref<80xi32, #tpu.memory_space<hbm>>
            %dma_wait3A_168 = arith.constant 0 : i32
            %dma_wait3A_169 = tpu.memref_slice %arg9[%dma_wait3A_162, %dma_wait3A_168] : memref<4x80xi32, #tpu.memory_space<vmem>> -> memref<1x80xi32, #tpu.memory_space<vmem>>
            %dma_wait3A_170 = tpu.memref_squeeze %dma_wait3A_169 : memref<1x80xi32, #tpu.memory_space<vmem>> -> memref<80xi32, #tpu.memory_space<vmem>>
            %dma_wait3A_171 = arith.constant 0 : i32
            %dma_wait3A_172 = tpu.memref_slice %arg4[%dma_wait3A_171] : memref<320000xi32, #tpu.memory_space<hbm>> -> memref<80xi32, #tpu.memory_space<hbm>>
            tpu.wait_dma2 semaphore(%arg22 : memref<!tpu.dma_semaphore, #tpu.memory_space<semaphore_mem>>) src(%dma_wait3A_172 : memref<80xi32, #tpu.memory_space<hbm>>) dst(%dma_wait3A_170 : memref<80xi32, #tpu.memory_space<vmem>>)
            %dma_start3A_173 = arith.constant 3 : i32
            %dma_start3A_174 = arith.constant 0 : i32
            %dma_start3A_175 = tpu.memref_slice %arg8[%dma_start3A_173, %dma_start3A_174] : memref<4x80xi32, #tpu.memory_space<vmem>> -> memref<1x80xi32, #tpu.memory_space<vmem>>
            %dma_start3A_176 = tpu.memref_squeeze %dma_start3A_175 : memref<1x80xi32, #tpu.memory_space<vmem>> -> memref<80xi32, #tpu.memory_space<vmem>>
            %dma_start3A_177 = arith.constant 0 : i32
            %dma_start3A_178 = arith.constant 0 : i32
            %dma_start3A_179 = tpu.memref_slice %arg2[%dma_start3A_177, %dma_start3A_178] : memref<10000x128xf32, #tpu.memory_space<hbm>> -> memref<10000x128xf32, #tpu.memory_space<hbm>>
            tpu.enqueue_indirect_dma source(%dma_start3A_179 : memref<10000x128xf32, #tpu.memory_space<hbm>>) target(%arg12 : memref<80x128xf32, #tpu.memory_space<vmem>>) offsets(%dma_start3A_176 : memref<80xi32, #tpu.memory_space<vmem>>) semaphore(%arg18 : memref<!tpu.dma_semaphore, #tpu.memory_space<semaphore_mem>>)
          } else {
          }
          %dma_wait3A_144 = arith.constant 2 : i32
          %dma_wait3A_145 = arith.constant 0 : i32
          %dma_wait3A_146 = tpu.memref_slice %arg8[%dma_wait3A_144, %dma_wait3A_145] : memref<4x80xi32, #tpu.memory_space<vmem>> -> memref<1x80xi32, #tpu.memory_space<vmem>>
          %dma_wait3A_147 = tpu.memref_squeeze %dma_wait3A_146 : memref<1x80xi32, #tpu.memory_space<vmem>> -> memref<80xi32, #tpu.memory_space<vmem>>
          %dma_wait3A_148 = arith.constant 0 : i32
          %dma_wait3A_149 = arith.constant 0 : i32
          %dma_wait3A_150 = tpu.memref_slice %arg2[%dma_wait3A_148, %dma_wait3A_149] : memref<10000x128xf32, #tpu.memory_space<hbm>> -> memref<10000x128xf32, #tpu.memory_space<hbm>>
          tpu.wait_indirect_dma semaphore(%arg17 : memref<!tpu.dma_semaphore, #tpu.memory_space<semaphore_mem>>) src(%dma_wait3A_150 : memref<10000x128xf32, #tpu.memory_space<hbm>>) dst(%arg11 : memref<80x128xf32, #tpu.memory_space<vmem>>)
          %run_scoped3A = arith.constant 2 : i32
          "tpu.region"() ({
            %run_scoped3A_151 = tpu.sem_alloc : memref<!tpu.dma_semaphore, #tpu.memory_space<semaphore_mem>>
            %dma_start3A_152 = arith.constant 0 : i32
            %dma_start3A_153 = tpu.memref_slice %arg9[%run_scoped3A, %dma_start3A_152] : memref<4x80xi32, #tpu.memory_space<vmem>> -> memref<1x80xi32, #tpu.memory_space<vmem>>
            %dma_start3A_154 = tpu.memref_squeeze %dma_start3A_153 : memref<1x80xi32, #tpu.memory_space<vmem>> -> memref<80xi32, #tpu.memory_space<vmem>>
            %dma_start3A_155 = arith.constant 0 : i32
            %dma_start3A_156 = arith.constant 0 : i32
            %dma_start3A_157 = tpu.memref_slice %arg16[%dma_start3A_155, %dma_start3A_156] : memref<10240x128xf32, #tpu.memory_space<vmem_shared>> -> memref<10240x128xf32, #tpu.memory_space<vmem_shared>>
            tpu.enqueue_indirect_dma source(%arg11 : memref<80x128xf32, #tpu.memory_space<vmem>>) target(%dma_start3A_157 : memref<10240x128xf32, #tpu.memory_space<vmem_shared>>) offsets(%dma_start3A_154 : memref<80xi32, #tpu.memory_space<vmem>>) semaphore(%run_scoped3A_151 : memref<!tpu.dma_semaphore, #tpu.memory_space<semaphore_mem>>) {add = true}
            %dma_wait3A_158 = arith.constant 0 : i32
            %dma_wait3A_159 = tpu.memref_slice %arg9[%run_scoped3A, %dma_wait3A_158] : memref<4x80xi32, #tpu.memory_space<vmem>> -> memref<1x80xi32, #tpu.memory_space<vmem>>
            %dma_wait3A_160 = tpu.memref_squeeze %dma_wait3A_159 : memref<1x80xi32, #tpu.memory_space<vmem>> -> memref<80xi32, #tpu.memory_space<vmem>>
            %dma_wait3A_161 = arith.constant 0 : i32
            %dma_wait3A_162 = arith.constant 0 : i32
            %dma_wait3A_163 = tpu.memref_slice %arg16[%dma_wait3A_161, %dma_wait3A_162] : memref<10240x128xf32, #tpu.memory_space<vmem_shared>> -> memref<10240x128xf32, #tpu.memory_space<vmem_shared>>
            tpu.wait_indirect_dma semaphore(%run_scoped3A_151 : memref<!tpu.dma_semaphore, #tpu.memory_space<semaphore_mem>>) src(%arg11 : memref<80x128xf32, #tpu.memory_space<vmem>>) dst(%dma_wait3A_163 : memref<10240x128xf32, #tpu.memory_space<vmem_shared>>)
            tpu.yield
          }) : () -> ()
        } else {
        }
        %mul3A_121 = arith.constant 4 : i32
        %mul3A_122 = arith.muli %mul3A_121, %scan3A_94 : i32
        %add3A_123 = arith.constant 3 : i32
        %add3A_124 = arith.addi %mul3A_122, %add3A_123 : i32
        %lt3A_125 = arith.constant 250 : i32
        %lt3A_126 = arith.cmpi slt, %add3A_124, %lt3A_125 : i32
        %convert_element_type3A_127 = arith.extui %lt3A_126 : i1 to i32
        %cond3A_128 = arith.constant 0 : i32
        %cond3A_129 = arith.cmpi ne, %convert_element_type3A_127, %cond3A_128 : i32
        scf.if %cond3A_129 {
          %add3A_130 = arith.constant 2 : i32
          %add3A_131 = arith.addi %add3A_124, %add3A_130 : i32
          %lt3A_132 = arith.constant 250 : i32
          %lt3A_133 = arith.cmpi slt, %add3A_131, %lt3A_132 : i32
          %convert_element_type3A_134 = arith.extui %lt3A_133 : i1 to i32
          %cond3A_135 = arith.constant 0 : i32
          %cond3A_136 = arith.cmpi ne, %convert_element_type3A_134, %cond3A_135 : i32
          scf.if %cond3A_136 {
            %add3A_151 = arith.constant 2 : i32
            %add3A_152 = arith.addi %add3A_124, %add3A_151 : i32
            %mul3A_153 = arith.constant 80 : i32
            %mul3A_154 = arith.muli %add3A_152, %mul3A_153 : i32
            %add3A_155 = arith.addi %mul3A_21, %mul3A_154 : i32
            %dma_start3A_156 = arith.constant 1 : i32
            %dma_start3A_157 = arith.constant 0 : i32
            %dma_start3A_158 = tpu.memref_slice %arg8[%dma_start3A_156, %dma_start3A_157] : memref<4x80xi32, #tpu.memory_space<vmem>> -> memref<1x80xi32, #tpu.memory_space<vmem>>
            %dma_start3A_159 = tpu.memref_squeeze %dma_start3A_158 : memref<1x80xi32, #tpu.memory_space<vmem>> -> memref<80xi32, #tpu.memory_space<vmem>>
            %dma_start3A_160 = tpu.memref_slice %arg3[%add3A_155] : memref<320000xi32, #tpu.memory_space<hbm>> -> memref<80xi32, #tpu.memory_space<hbm>>
            %dma_start3A_161 = arith.constant 0 : i32
            %dma_start3A_162 = tpu.memref_slice %arg8[%dma_start3A_156, %dma_start3A_161] : memref<4x80xi32, #tpu.memory_space<vmem>> -> memref<1x80xi32, #tpu.memory_space<vmem>>
            %dma_start3A_163 = tpu.memref_squeeze %dma_start3A_162 : memref<1x80xi32, #tpu.memory_space<vmem>> -> memref<80xi32, #tpu.memory_space<vmem>>
            %dma_start3A_164 = tpu.memref_slice %arg3[%add3A_155] : memref<320000xi32, #tpu.memory_space<hbm>> -> memref<80xi32, #tpu.memory_space<hbm>>
            tpu.enqueue_dma source(%dma_start3A_164 : memref<80xi32, #tpu.memory_space<hbm>>) target(%dma_start3A_163 : memref<80xi32, #tpu.memory_space<vmem>>) target_semaphore(%arg20 : memref<!tpu.dma_semaphore, #tpu.memory_space<semaphore_mem>>)
            %dma_start3A_165 = arith.constant 1 : i32
            %dma_start3A_166 = arith.constant 0 : i32
            %dma_start3A_167 = tpu.memref_slice %arg9[%dma_start3A_165, %dma_start3A_166] : memref<4x80xi32, #tpu.memory_space<vmem>> -> memref<1x80xi32, #tpu.memory_space<vmem>>
            %dma_start3A_168 = tpu.memref_squeeze %dma_start3A_167 : memref<1x80xi32, #tpu.memory_space<vmem>> -> memref<80xi32, #tpu.memory_space<vmem>>
            %dma_start3A_169 = tpu.memref_slice %arg4[%add3A_155] : memref<320000xi32, #tpu.memory_space<hbm>> -> memref<80xi32, #tpu.memory_space<hbm>>
            %dma_start3A_170 = arith.constant 0 : i32
            %dma_start3A_171 = tpu.memref_slice %arg9[%dma_start3A_165, %dma_start3A_170] : memref<4x80xi32, #tpu.memory_space<vmem>> -> memref<1x80xi32, #tpu.memory_space<vmem>>
            %dma_start3A_172 = tpu.memref_squeeze %dma_start3A_171 : memref<1x80xi32, #tpu.memory_space<vmem>> -> memref<80xi32, #tpu.memory_space<vmem>>
            %dma_start3A_173 = tpu.memref_slice %arg4[%add3A_155] : memref<320000xi32, #tpu.memory_space<hbm>> -> memref<80xi32, #tpu.memory_space<hbm>>
            tpu.enqueue_dma source(%dma_start3A_173 : memref<80xi32, #tpu.memory_space<hbm>>) target(%dma_start3A_172 : memref<80xi32, #tpu.memory_space<vmem>>) target_semaphore(%arg20 : memref<!tpu.dma_semaphore, #tpu.memory_space<semaphore_mem>>)
          } else {
          }
          %add3A_137 = arith.constant 1 : i32
          %add3A_138 = arith.addi %add3A_124, %add3A_137 : i32
          %lt3A_139 = arith.constant 250 : i32
          %lt3A_140 = arith.cmpi slt, %add3A_138, %lt3A_139 : i32
          %convert_element_type3A_141 = arith.extui %lt3A_140 : i1 to i32
          %cond3A_142 = arith.constant 0 : i32
          %cond3A_143 = arith.cmpi ne, %convert_element_type3A_141, %cond3A_142 : i32
          scf.if %cond3A_143 {
            %dma_wait3A_151 = arith.constant 0 : i32
            %dma_wait3A_152 = arith.constant 0 : i32
            %dma_wait3A_153 = tpu.memref_slice %arg8[%dma_wait3A_151, %dma_wait3A_152] : memref<4x80xi32, #tpu.memory_space<vmem>> -> memref<1x80xi32, #tpu.memory_space<vmem>>
            %dma_wait3A_154 = tpu.memref_squeeze %dma_wait3A_153 : memref<1x80xi32, #tpu.memory_space<vmem>> -> memref<80xi32, #tpu.memory_space<vmem>>
            %dma_wait3A_155 = arith.constant 0 : i32
            %dma_wait3A_156 = tpu.memref_slice %arg3[%dma_wait3A_155] : memref<320000xi32, #tpu.memory_space<hbm>> -> memref<80xi32, #tpu.memory_space<hbm>>
            %dma_wait3A_157 = arith.constant 0 : i32
            %dma_wait3A_158 = tpu.memref_slice %arg8[%dma_wait3A_151, %dma_wait3A_157] : memref<4x80xi32, #tpu.memory_space<vmem>> -> memref<1x80xi32, #tpu.memory_space<vmem>>
            %dma_wait3A_159 = tpu.memref_squeeze %dma_wait3A_158 : memref<1x80xi32, #tpu.memory_space<vmem>> -> memref<80xi32, #tpu.memory_space<vmem>>
            %dma_wait3A_160 = arith.constant 0 : i32
            %dma_wait3A_161 = tpu.memref_slice %arg3[%dma_wait3A_160] : memref<320000xi32, #tpu.memory_space<hbm>> -> memref<80xi32, #tpu.memory_space<hbm>>
            tpu.wait_dma2 semaphore(%arg19 : memref<!tpu.dma_semaphore, #tpu.memory_space<semaphore_mem>>) src(%dma_wait3A_161 : memref<80xi32, #tpu.memory_space<hbm>>) dst(%dma_wait3A_159 : memref<80xi32, #tpu.memory_space<vmem>>)
            %dma_wait3A_162 = arith.constant 0 : i32
            %dma_wait3A_163 = arith.constant 0 : i32
            %dma_wait3A_164 = tpu.memref_slice %arg9[%dma_wait3A_162, %dma_wait3A_163] : memref<4x80xi32, #tpu.memory_space<vmem>> -> memref<1x80xi32, #tpu.memory_space<vmem>>
            %dma_wait3A_165 = tpu.memref_squeeze %dma_wait3A_164 : memref<1x80xi32, #tpu.memory_space<vmem>> -> memref<80xi32, #tpu.memory_space<vmem>>
            %dma_wait3A_166 = arith.constant 0 : i32
            %dma_wait3A_167 = tpu.memref_slice %arg4[%dma_wait3A_166] : memref<320000xi32, #tpu.memory_space<hbm>> -> memref<80xi32, #tpu.memory_space<hbm>>
            %dma_wait3A_168 = arith.constant 0 : i32
            %dma_wait3A_169 = tpu.memref_slice %arg9[%dma_wait3A_162, %dma_wait3A_168] : memref<4x80xi32, #tpu.memory_space<vmem>> -> memref<1x80xi32, #tpu.memory_space<vmem>>
            %dma_wait3A_170 = tpu.memref_squeeze %dma_wait3A_169 : memref<1x80xi32, #tpu.memory_space<vmem>> -> memref<80xi32, #tpu.memory_space<vmem>>
            %dma_wait3A_171 = arith.constant 0 : i32
            %dma_wait3A_172 = tpu.memref_slice %arg4[%dma_wait3A_171] : memref<320000xi32, #tpu.memory_space<hbm>> -> memref<80xi32, #tpu.memory_space<hbm>>
            tpu.wait_dma2 semaphore(%arg19 : memref<!tpu.dma_semaphore, #tpu.memory_space<semaphore_mem>>) src(%dma_wait3A_172 : memref<80xi32, #tpu.memory_space<hbm>>) dst(%dma_wait3A_170 : memref<80xi32, #tpu.memory_space<vmem>>)
            %dma_start3A_173 = arith.constant 0 : i32
            %dma_start3A_174 = arith.constant 0 : i32
            %dma_start3A_175 = tpu.memref_slice %arg8[%dma_start3A_173, %dma_start3A_174] : memref<4x80xi32, #tpu.memory_space<vmem>> -> memref<1x80xi32, #tpu.memory_space<vmem>>
            %dma_start3A_176 = tpu.memref_squeeze %dma_start3A_175 : memref<1x80xi32, #tpu.memory_space<vmem>> -> memref<80xi32, #tpu.memory_space<vmem>>
            %dma_start3A_177 = arith.constant 0 : i32
            %dma_start3A_178 = arith.constant 0 : i32
            %dma_start3A_179 = tpu.memref_slice %arg2[%dma_start3A_177, %dma_start3A_178] : memref<10000x128xf32, #tpu.memory_space<hbm>> -> memref<10000x128xf32, #tpu.memory_space<hbm>>
            tpu.enqueue_indirect_dma source(%dma_start3A_179 : memref<10000x128xf32, #tpu.memory_space<hbm>>) target(%arg11 : memref<80x128xf32, #tpu.memory_space<vmem>>) offsets(%dma_start3A_176 : memref<80xi32, #tpu.memory_space<vmem>>) semaphore(%arg17 : memref<!tpu.dma_semaphore, #tpu.memory_space<semaphore_mem>>)
          } else {
          }
          %dma_wait3A_144 = arith.constant 3 : i32
          %dma_wait3A_145 = arith.constant 0 : i32
          %dma_wait3A_146 = tpu.memref_slice %arg8[%dma_wait3A_144, %dma_wait3A_145] : memref<4x80xi32, #tpu.memory_space<vmem>> -> memref<1x80xi32, #tpu.memory_space<vmem>>
          %dma_wait3A_147 = tpu.memref_squeeze %dma_wait3A_146 : memref<1x80xi32, #tpu.memory_space<vmem>> -> memref<80xi32, #tpu.memory_space<vmem>>
          %dma_wait3A_148 = arith.constant 0 : i32
          %dma_wait3A_149 = arith.constant 0 : i32
          %dma_wait3A_150 = tpu.memref_slice %arg2[%dma_wait3A_148, %dma_wait3A_149] : memref<10000x128xf32, #tpu.memory_space<hbm>> -> memref<10000x128xf32, #tpu.memory_space<hbm>>
          tpu.wait_indirect_dma semaphore(%arg18 : memref<!tpu.dma_semaphore, #tpu.memory_space<semaphore_mem>>) src(%dma_wait3A_150 : memref<10000x128xf32, #tpu.memory_space<hbm>>) dst(%arg12 : memref<80x128xf32, #tpu.memory_space<vmem>>)
          %run_scoped3A = arith.constant 3 : i32
          "tpu.region"() ({
            %run_scoped3A_151 = tpu.sem_alloc : memref<!tpu.dma_semaphore, #tpu.memory_space<semaphore_mem>>
            %dma_start3A_152 = arith.constant 0 : i32
            %dma_start3A_153 = tpu.memref_slice %arg9[%run_scoped3A, %dma_start3A_152] : memref<4x80xi32, #tpu.memory_space<vmem>> -> memref<1x80xi32, #tpu.memory_space<vmem>>
            %dma_start3A_154 = tpu.memref_squeeze %dma_start3A_153 : memref<1x80xi32, #tpu.memory_space<vmem>> -> memref<80xi32, #tpu.memory_space<vmem>>
            %dma_start3A_155 = arith.constant 0 : i32
            %dma_start3A_156 = arith.constant 0 : i32
            %dma_start3A_157 = tpu.memref_slice %arg16[%dma_start3A_155, %dma_start3A_156] : memref<10240x128xf32, #tpu.memory_space<vmem_shared>> -> memref<10240x128xf32, #tpu.memory_space<vmem_shared>>
            tpu.enqueue_indirect_dma source(%arg12 : memref<80x128xf32, #tpu.memory_space<vmem>>) target(%dma_start3A_157 : memref<10240x128xf32, #tpu.memory_space<vmem_shared>>) offsets(%dma_start3A_154 : memref<80xi32, #tpu.memory_space<vmem>>) semaphore(%run_scoped3A_151 : memref<!tpu.dma_semaphore, #tpu.memory_space<semaphore_mem>>) {add = true}
            %dma_wait3A_158 = arith.constant 0 : i32
            %dma_wait3A_159 = tpu.memref_slice %arg9[%run_scoped3A, %dma_wait3A_158] : memref<4x80xi32, #tpu.memory_space<vmem>> -> memref<1x80xi32, #tpu.memory_space<vmem>>
            %dma_wait3A_160 = tpu.memref_squeeze %dma_wait3A_159 : memref<1x80xi32, #tpu.memory_space<vmem>> -> memref<80xi32, #tpu.memory_space<vmem>>
            %dma_wait3A_161 = arith.constant 0 : i32
            %dma_wait3A_162 = arith.constant 0 : i32
            %dma_wait3A_163 = tpu.memref_slice %arg16[%dma_wait3A_161, %dma_wait3A_162] : memref<10240x128xf32, #tpu.memory_space<vmem_shared>> -> memref<10240x128xf32, #tpu.memory_space<vmem_shared>>
            tpu.wait_indirect_dma semaphore(%run_scoped3A_151 : memref<!tpu.dma_semaphore, #tpu.memory_space<semaphore_mem>>) src(%arg12 : memref<80x128xf32, #tpu.memory_space<vmem>>) dst(%dma_wait3A_163 : memref<10240x128xf32, #tpu.memory_space<vmem_shared>>)
            tpu.yield
          }) : () -> ()
        } else {
        }
      }
      %scan3A_93 = arith.constant 63 : i32
    } else {
    }
    %barrier3A_13 = arith.constant 0 : index
    tpu.barrier barrier_id(%barrier3A_13)
    %scan3A_14 = arith.constant 0 : i32
    %scan3A_15 = arith.constant 0 : i32
    %scan3A_16 = arith.constant 8 : i32
    %scan3A_17 = arith.addi %scan3A_15, %scan3A_16 : i32
    %scan3A_18 = arith.constant 1 : i32
    scf.for %scan3A_20 = %scan3A_15 to %scan3A_17 step %scan3A_18  : i32 {
      %mul3A_21 = arith.constant 80 : i32
      %mul3A_22 = arith.muli %scan3A_20, %mul3A_21 : i32
      %add3A = arith.addi %mul3A_0, %mul3A_22 : i32
      "tpu.region"() ({
        %run_scoped3A = tpu.sem_alloc : memref<!tpu.dma_semaphore, #tpu.memory_space<semaphore_mem>>
        %dma_start3A = arith.constant 0 : i32
        %dma_start3A_26 = tpu.memref_slice %arg16[%add3A, %dma_start3A] : memref<10240x128xf32, #tpu.memory_space<vmem_shared>> -> memref<80x128xf32, #tpu.memory_space<vmem_shared>>
        %dma_start3A_27 = arith.constant 0 : i32
        %dma_start3A_28 = tpu.memref_slice %arg16[%add3A, %dma_start3A_27] : memref<10240x128xf32, #tpu.memory_space<vmem_shared>> -> memref<80x128xf32, #tpu.memory_space<vmem_shared>>
        tpu.enqueue_dma source(%dma_start3A_28 : memref<80x128xf32, #tpu.memory_space<vmem_shared>>) target(%arg11 : memref<80x128xf32, #tpu.memory_space<vmem>>) target_semaphore(%run_scoped3A : memref<!tpu.dma_semaphore, #tpu.memory_space<semaphore_mem>>)
        %dma_wait3A = arith.constant 0 : i32
        %dma_wait3A_29 = tpu.memref_slice %arg16[%add3A, %dma_wait3A] : memref<10240x128xf32, #tpu.memory_space<vmem_shared>> -> memref<80x128xf32, #tpu.memory_space<vmem_shared>>
        %dma_wait3A_30 = arith.constant 0 : i32
        %dma_wait3A_31 = tpu.memref_slice %arg16[%add3A, %dma_wait3A_30] : memref<10240x128xf32, #tpu.memory_space<vmem_shared>> -> memref<80x128xf32, #tpu.memory_space<vmem_shared>>
        tpu.wait_dma2 semaphore(%run_scoped3A : memref<!tpu.dma_semaphore, #tpu.memory_space<semaphore_mem>>) src(%dma_wait3A_31 : memref<80x128xf32, #tpu.memory_space<vmem_shared>>) dst(%arg11 : memref<80x128xf32, #tpu.memory_space<vmem>>)
        tpu.yield
      }) : () -> ()
      %mul3A_23 = arith.constant 10240 : i32
      %mul3A_24 = arith.muli %arg0, %mul3A_23 : i32
      %add3A_25 = arith.addi %mul3A_24, %add3A : i32
      "tpu.region"() ({
        %run_scoped3A = tpu.sem_alloc : memref<!tpu.dma_semaphore, #tpu.memory_space<semaphore_mem>>
        %dma_start3A = arith.constant 0 : i32
        %dma_start3A_26 = tpu.memref_slice %arg7[%add3A_25, %dma_start3A] : memref<20480x128xf32, #tpu.memory_space<hbm>> -> memref<80x128xf32, #tpu.memory_space<hbm>>
        %dma_start3A_27 = arith.constant 0 : i32
        %dma_start3A_28 = tpu.memref_slice %arg7[%add3A_25, %dma_start3A_27] : memref<20480x128xf32, #tpu.memory_space<hbm>> -> memref<80x128xf32, #tpu.memory_space<hbm>>
        tpu.enqueue_dma source(%arg11 : memref<80x128xf32, #tpu.memory_space<vmem>>) target(%dma_start3A_28 : memref<80x128xf32, #tpu.memory_space<hbm>>) target_semaphore(%run_scoped3A : memref<!tpu.dma_semaphore, #tpu.memory_space<semaphore_mem>>)
        %dma_wait3A = arith.constant 0 : i32
        %dma_wait3A_29 = tpu.memref_slice %arg7[%add3A_25, %dma_wait3A] : memref<20480x128xf32, #tpu.memory_space<hbm>> -> memref<80x128xf32, #tpu.memory_space<hbm>>
        %dma_wait3A_30 = arith.constant 0 : i32
        %dma_wait3A_31 = tpu.memref_slice %arg7[%add3A_25, %dma_wait3A_30] : memref<20480x128xf32, #tpu.memory_space<hbm>> -> memref<80x128xf32, #tpu.memory_space<hbm>>
        tpu.wait_dma2 semaphore(%run_scoped3A : memref<!tpu.dma_semaphore, #tpu.memory_space<semaphore_mem>>) src(%arg11 : memref<80x128xf32, #tpu.memory_space<vmem>>) dst(%dma_wait3A_31 : memref<80x128xf32, #tpu.memory_space<hbm>>)
        tpu.yield
      }) : () -> ()
    }
    %scan3A_19 = arith.constant 8 : i32
    return
  }
}

module attributes {stable_mosaic.version = 14 : i64} {
  func.func @_tc_mlp_body(%arg0: memref<20480x128xf32, #tpu.memory_space<vmem>>, %arg1: memref<10000x128xf32, #tpu.memory_space<vmem>>, %arg2: memref<16x128xf32, #tpu.memory_space<vmem>>, %arg3: memref<1x128xf32, #tpu.memory_space<vmem>>, %arg4: memref<128x128xf32, #tpu.memory_space<vmem>>, %arg5: memref<1x128xf32, #tpu.memory_space<vmem>>, %arg6: memref<128x128xf32, #tpu.memory_space<vmem>>, %arg7: memref<1x128xf32, #tpu.memory_space<vmem>>, %arg8: memref<1x128xf32, #tpu.memory_space<vmem>>, %arg9: memref<1x128xf32, #tpu.memory_space<vmem>>, %arg10: memref<1x128xf32, #tpu.memory_space<vmem>>, %arg11: memref<1x128xf32, #tpu.memory_space<vmem>>, %arg12: memref<10000x128xf32, #tpu.memory_space<vmem>>) attributes {dimension_semantics = [], scalar_prefetch = 0 : i64, scratch_operands = 0 : i64, tpu.core_type = #tpu.core_type<tc>} {
    %get3A = arith.constant 0 : index
    %get3A_0 = arith.constant 0 : index
    %get3A_1 = vector.load %arg0[%get3A, %get3A_0] : memref<20480x128xf32, #tpu.memory_space<vmem>>, vector<10000x16xf32>
    %get3A_2 = arith.constant 0 : index
    %get3A_3 = arith.constant 16 : index
    %get3A_4 = vector.load %arg0[%get3A_2, %get3A_3] : memref<20480x128xf32, #tpu.memory_space<vmem>>, vector<10000x1xf32>
    %get3A_5 = arith.constant 10240 : index
    %get3A_6 = arith.constant 0 : index
    %get3A_7 = vector.load %arg0[%get3A_5, %get3A_6] : memref<20480x128xf32, #tpu.memory_space<vmem>>, vector<10000x128xf32>
    %get3A_8 = arith.constant 0 : index
    %get3A_9 = arith.constant 0 : index
    %get3A_10 = vector.load %arg2[%get3A_8, %get3A_9] : memref<16x128xf32, #tpu.memory_space<vmem>>, vector<16x128xf32>
    %dot_general3A = arith.constant dense<0.000000e+00> : vector<10000x128xf32>
    %dot_general3A_11 = tpu.matmul %get3A_1, %get3A_10, %dot_general3A {dimension_numbers = #tpu.dot_dimension_numbers<[1], [0], [0], [1], [0, 0, 1, 1], [], []>, transpose_lhs_hint = false} : vector<10000x16xf32>, vector<16x128xf32>, vector<10000x128xf32> -> vector<10000x128xf32>
    %get3A_12 = arith.constant 0 : index
    %get3A_13 = arith.constant 0 : index
    %get3A_14 = vector.load %arg3[%get3A_12, %get3A_13] : memref<1x128xf32, #tpu.memory_space<vmem>>, vector<1x128xf32>
    %mul3A = vector.broadcast %get3A_4 : vector<10000x1xf32> to vector<10000x128xf32>
    %mul3A_15 = vector.broadcast %get3A_14 : vector<1x128xf32> to vector<10000x128xf32>
    %mul3A_16 = arith.mulf %mul3A, %mul3A_15 : vector<10000x128xf32>
    %add3A = arith.addf %dot_general3A_11, %mul3A_16 : vector<10000x128xf32>
    %get3A_17 = arith.constant 0 : index
    %get3A_18 = arith.constant 0 : index
    %get3A_19 = vector.load %arg4[%get3A_17, %get3A_18] : memref<128x128xf32, #tpu.memory_space<vmem>>, vector<128x128xf32>
    %dot_general3A_20 = arith.constant dense<0.000000e+00> : vector<10000x128xf32>
    %dot_general3A_21 = tpu.matmul %get3A_7, %get3A_19, %dot_general3A_20 {dimension_numbers = #tpu.dot_dimension_numbers<[1], [0], [0], [1], [0, 0, 1, 1], [], []>, transpose_lhs_hint = false} : vector<10000x128xf32>, vector<128x128xf32>, vector<10000x128xf32> -> vector<10000x128xf32>
    %get3A_22 = arith.constant 0 : index
    %get3A_23 = arith.constant 0 : index
    %get3A_24 = vector.load %arg5[%get3A_22, %get3A_23] : memref<1x128xf32, #tpu.memory_space<vmem>>, vector<1x128xf32>
    %add3A_25 = vector.broadcast %get3A_24 : vector<1x128xf32> to vector<10000x128xf32>
    %add3A_26 = arith.addf %dot_general3A_21, %add3A_25 : vector<10000x128xf32>
    %add3A_27 = arith.addf %add3A_26, %add3A : vector<10000x128xf32>
    %max3A = arith.constant 0.000000e+00 : f32
    %max3A_28 = vector.broadcast %max3A : f32 to vector<10000x128xf32>
    %max3A_29 = arith.maximumf %add3A_27, %max3A_28 : vector<10000x128xf32>
    %reduce_sum3A = arith.constant dense<0.000000e+00> : vector<128xf32>
    %reduce_sum3A_30 = vector.multi_reduction <add>, %max3A_29, %reduce_sum3A [0] : vector<10000x128xf32> to vector<128xf32>
    %broadcast_in_dim3A = vector.shape_cast %reduce_sum3A_30 : vector<128xf32> to vector<1x128xf32>
    %div3A = arith.constant 1.000000e+04 : f32
    %div3A_31 = vector.broadcast %div3A : f32 to vector<1x128xf32>
    %div3A_32 = arith.divf %broadcast_in_dim3A, %div3A_31 : vector<1x128xf32>
    %mul3A_33 = arith.mulf %max3A_29, %max3A_29 : vector<10000x128xf32>
    %reduce_sum3A_34 = arith.constant dense<0.000000e+00> : vector<128xf32>
    %reduce_sum3A_35 = vector.multi_reduction <add>, %mul3A_33, %reduce_sum3A_34 [0] : vector<10000x128xf32> to vector<128xf32>
    %broadcast_in_dim3A_36 = vector.shape_cast %reduce_sum3A_35 : vector<128xf32> to vector<1x128xf32>
    %div3A_37 = arith.constant 1.000000e+04 : f32
    %div3A_38 = vector.broadcast %div3A_37 : f32 to vector<1x128xf32>
    %div3A_39 = arith.divf %broadcast_in_dim3A_36, %div3A_38 : vector<1x128xf32>
    %mul3A_40 = arith.mulf %div3A_32, %div3A_32 : vector<1x128xf32>
    %sub3A = arith.subf %div3A_39, %mul3A_40 : vector<1x128xf32>
    %sub3A_41 = vector.broadcast %div3A_32 : vector<1x128xf32> to vector<10000x128xf32>
    %sub3A_42 = arith.subf %max3A_29, %sub3A_41 : vector<10000x128xf32>
    %add3A_43 = arith.constant 9.99999974E-6 : f32
    %add3A_44 = vector.broadcast %add3A_43 : f32 to vector<1x128xf32>
    %add3A_45 = arith.addf %sub3A, %add3A_44 : vector<1x128xf32>
    %rsqrt3A = math.rsqrt %add3A_45 : vector<1x128xf32>
    %mul3A_46 = vector.broadcast %rsqrt3A : vector<1x128xf32> to vector<10000x128xf32>
    %mul3A_47 = arith.mulf %sub3A_42, %mul3A_46 : vector<10000x128xf32>
    %get3A_48 = arith.constant 0 : index
    %get3A_49 = arith.constant 0 : index
    %get3A_50 = vector.load %arg8[%get3A_48, %get3A_49] : memref<1x128xf32, #tpu.memory_space<vmem>>, vector<1x128xf32>
    %mul3A_51 = vector.broadcast %get3A_50 : vector<1x128xf32> to vector<10000x128xf32>
    %mul3A_52 = arith.mulf %mul3A_47, %mul3A_51 : vector<10000x128xf32>
    %get3A_53 = arith.constant 0 : index
    %get3A_54 = arith.constant 0 : index
    %get3A_55 = vector.load %arg9[%get3A_53, %get3A_54] : memref<1x128xf32, #tpu.memory_space<vmem>>, vector<1x128xf32>
    %add3A_56 = vector.broadcast %get3A_55 : vector<1x128xf32> to vector<10000x128xf32>
    %add3A_57 = arith.addf %mul3A_52, %add3A_56 : vector<10000x128xf32>
    %get3A_58 = arith.constant 0 : index
    %get3A_59 = arith.constant 0 : index
    %get3A_60 = vector.load %arg6[%get3A_58, %get3A_59] : memref<128x128xf32, #tpu.memory_space<vmem>>, vector<128x128xf32>
    %dot_general3A_61 = arith.constant dense<0.000000e+00> : vector<10000x128xf32>
    %dot_general3A_62 = tpu.matmul %add3A_57, %get3A_60, %dot_general3A_61 {dimension_numbers = #tpu.dot_dimension_numbers<[1], [0], [0], [1], [0, 0, 1, 1], [], []>, transpose_lhs_hint = false} : vector<10000x128xf32>, vector<128x128xf32>, vector<10000x128xf32> -> vector<10000x128xf32>
    %get3A_63 = arith.constant 0 : index
    %get3A_64 = arith.constant 0 : index
    %get3A_65 = vector.load %arg7[%get3A_63, %get3A_64] : memref<1x128xf32, #tpu.memory_space<vmem>>, vector<1x128xf32>
    %add3A_66 = vector.broadcast %get3A_65 : vector<1x128xf32> to vector<10000x128xf32>
    %add3A_67 = arith.addf %dot_general3A_62, %add3A_66 : vector<10000x128xf32>
    %get3A_68 = arith.constant 0 : index
    %get3A_69 = arith.constant 0 : index
    %get3A_70 = vector.load %arg1[%get3A_68, %get3A_69] : memref<10000x128xf32, #tpu.memory_space<vmem>>, vector<10000x128xf32>
    %add3A_71 = arith.addf %add3A_67, %get3A_70 : vector<10000x128xf32>
    %max3A_72 = arith.constant 0.000000e+00 : f32
    %max3A_73 = vector.broadcast %max3A_72 : f32 to vector<10000x128xf32>
    %max3A_74 = arith.maximumf %add3A_71, %max3A_73 : vector<10000x128xf32>
    %reduce_sum3A_75 = arith.constant dense<0.000000e+00> : vector<128xf32>
    %reduce_sum3A_76 = vector.multi_reduction <add>, %max3A_74, %reduce_sum3A_75 [0] : vector<10000x128xf32> to vector<128xf32>
    %broadcast_in_dim3A_77 = vector.shape_cast %reduce_sum3A_76 : vector<128xf32> to vector<1x128xf32>
    %div3A_78 = arith.constant 1.000000e+04 : f32
    %div3A_79 = vector.broadcast %div3A_78 : f32 to vector<1x128xf32>
    %div3A_80 = arith.divf %broadcast_in_dim3A_77, %div3A_79 : vector<1x128xf32>
    %mul3A_81 = arith.mulf %max3A_74, %max3A_74 : vector<10000x128xf32>
    %reduce_sum3A_82 = arith.constant dense<0.000000e+00> : vector<128xf32>
    %reduce_sum3A_83 = vector.multi_reduction <add>, %mul3A_81, %reduce_sum3A_82 [0] : vector<10000x128xf32> to vector<128xf32>
    %broadcast_in_dim3A_84 = vector.shape_cast %reduce_sum3A_83 : vector<128xf32> to vector<1x128xf32>
    %div3A_85 = arith.constant 1.000000e+04 : f32
    %div3A_86 = vector.broadcast %div3A_85 : f32 to vector<1x128xf32>
    %div3A_87 = arith.divf %broadcast_in_dim3A_84, %div3A_86 : vector<1x128xf32>
    %mul3A_88 = arith.mulf %div3A_80, %div3A_80 : vector<1x128xf32>
    %sub3A_89 = arith.subf %div3A_87, %mul3A_88 : vector<1x128xf32>
    %sub3A_90 = vector.broadcast %div3A_80 : vector<1x128xf32> to vector<10000x128xf32>
    %sub3A_91 = arith.subf %max3A_74, %sub3A_90 : vector<10000x128xf32>
    %add3A_92 = arith.constant 9.99999974E-6 : f32
    %add3A_93 = vector.broadcast %add3A_92 : f32 to vector<1x128xf32>
    %add3A_94 = arith.addf %sub3A_89, %add3A_93 : vector<1x128xf32>
    %rsqrt3A_95 = math.rsqrt %add3A_94 : vector<1x128xf32>
    %mul3A_96 = vector.broadcast %rsqrt3A_95 : vector<1x128xf32> to vector<10000x128xf32>
    %mul3A_97 = arith.mulf %sub3A_91, %mul3A_96 : vector<10000x128xf32>
    %get3A_98 = arith.constant 0 : index
    %get3A_99 = arith.constant 0 : index
    %get3A_100 = vector.load %arg10[%get3A_98, %get3A_99] : memref<1x128xf32, #tpu.memory_space<vmem>>, vector<1x128xf32>
    %mul3A_101 = vector.broadcast %get3A_100 : vector<1x128xf32> to vector<10000x128xf32>
    %mul3A_102 = arith.mulf %mul3A_97, %mul3A_101 : vector<10000x128xf32>
    %get3A_103 = arith.constant 0 : index
    %get3A_104 = arith.constant 0 : index
    %get3A_105 = vector.load %arg11[%get3A_103, %get3A_104] : memref<1x128xf32, #tpu.memory_space<vmem>>, vector<1x128xf32>
    %add3A_106 = vector.broadcast %get3A_105 : vector<1x128xf32> to vector<10000x128xf32>
    %add3A_107 = arith.addf %mul3A_102, %add3A_106 : vector<10000x128xf32>
    %swap3A = arith.constant 0 : index
    %swap3A_108 = arith.constant 0 : index
    %swap3A_109 = vector.load %arg12[%swap3A, %swap3A_108] : memref<10000x128xf32, #tpu.memory_space<vmem>>, vector<10000x128xf32>
    tpu.vector_store %arg12[%swap3A, %swap3A_108], %add3A_107 {strides = array<i32>} : memref<10000x128xf32, #tpu.memory_space<vmem>>, vector<10000x128xf32>,
    return
  }
}

</mosaic_0001>

<sc_bundles>
// kernel: kernel.4.cloned.1.call-start
scs
__scs_entry_jumppad:
0x0: {  	(pc) =	sbr.rel $0x88, $3  }
0x1: {  	(tag) =	ssettag $0x0;
	lr =	simm.s32 $0x1  }
0x2: {  	[smem:$0x3F94] =	sst lr;
	_ =	strace $0xD0000000  }
0x3: {  	_ = 	snop  }
0x4: {  	_ = 	snop  }
0x5: {  	_ = 	snop  }
0x6: {  	_ = 	snop  }
0x7: {  	_ = 	snop  }
__scs_overlays_trampoline_lowered:
0x8: {  	[smem:$0x3FA3] =	sst s0  }
0x9: {  	[smem:$0x3FA4] =	sst s1  }
0xa: {  	[smem:$0x3FA5] =	sst s2  }
0xb: {  	[smem:$0x3FA6] =	sst s3  }
0xc: {  	[smem:$0x3FA7] =	sst s4  }
0xd: {  	[smem:$0x3FA8] =	sst s5  }
0xe: {  	[smem:$0x3FA9] =	sst s6  }
0xf: {  	[smem:$0x3FAA] =	sst s7  }
0x10: {  	[smem:$0x3FAB] =	sst s8  }
0x11: {  	[smem:$0x3FAC] =	sst s9;
	s0 =	simm.s32 @!p0 $0x0  }
0x12: {  	s1 =	sld [smem:$0x3F92];
	s0 =	simm.s32 @p0 $0x1  }
0x13: {  	[smem:$0x3FAD] =	sst s0;
	s0 =	simm.s32 @!p1 $0x0  }
0x14: {  	s2 =	sld [smem:$0x3F91];
	s0 =	simm.s32 @p1 $0x1  }
0x15: {  	[smem:$0x3FAE] =	sst s0;
	s0 =	simm.s32 @!p2 $0x0  }
0x16: {  	s3 =	sld [smem:$0x3FDB];
	s0 =	simm.s32 @p2 $0x1  }
0x17: {  	s4 =	simm.s32 $0x1BF5;
	[smem:$0x3FB0] =	sst s0  }
0x18: {  	s0 =	sld [smem:$0x3F93];
	_ =	swait.ge [sflag:s4], $0x0  }
0x19: {  	s7 =	sld [smem:$0x3F94]  }
0x1a: {  	s8 =	sadd.s32 $0xFFFFE003, lr  }
0x1b: {  	s9 =	sadd.s32 $0xFFFFFEF7, lr;
	s5 =	simm.s32 $0xFFFFFFFF;
	p2 =	slt.u32 s8, $0xFFFFF086  }
0x1c: {  	p1 =	slt.u32 s9, $0xF7A;
	s5 =	simm.s32 @!p2 $0x0  }
0x1d: {  	s5 =	simm.s32 @p1 $0x1;
	p0 =	seq.s32 s7, s2  }
0x1e: {  	s7 =	smul.u32 @!p0 $0xF7A, s2;
	p2 =	seq.s32 @!p0 s5, $0x0  }
0x1f: {  	s9 =	smul.u32 $0xF7A, s1;
	s8 =	simm.s32 @!p0 $0x1BF5;
	p2 =	por !p2, p0  }
0x20: {  	[sflag:s8] =	ssyncset.s32 @!p0 $0xFFFFF086;
	s6 =	sadd.s32 @!p0 s3, s7;
	s7 =	simm.s32 @!p0 $0x108  }
0x21: {  	s3 =	sadd.s32 s3, s9;
	s6 =	sadd.s32 @!p0 $0x88, s6;
	s7 =	simm.s32 @p2 $0x1082  }
0x22: {  	[simem:s7], [sflag:s8] =	dma.local @!p0 [hbm:s6], $0xF7A  }
0x23: {  	s9 =	sor.u32 $0xD0000000, s2;
	s6 =	simm.s32 $0x108;
	_ =	swait.ge @!p0 [sflag:s8], $0x0  }
0x24: {  	s3 =	sadd.s32 $0x88, s3;
	s6 =	simm.s32 @!p1 $0x1082;
	[sflag:s4] =	ssyncset.s32 $0xFFFFF086  }
0x25: {  	[simem:s6], [sflag:s4] =	dma.local [hbm:s3], $0xF7A  }
0x26: {  	[smem:$0x3F94] =	sst s1;
	(tag) =	ssettag s2;
	_ =	strace s9  }
0x27: {  	s1 =	sld [smem:$0x3FA4]  }
0x28: {  	s2 =	sld [smem:$0x3FA5]  }
0x29: {  	s4 =	sld [smem:$0x3FA7]  }
0x2a: {  	p0 =	seq.s32 s5, $0x0;
	s5 =	sld [smem:$0x3FA8]  }
0x2b: {  	s6 =	sld [smem:$0x3FA9]  }
0x2c: {  	s7 =	sld [smem:$0x3FAA]  }
0x2d: {  	s3 =	simm.s32 $0x108;
	s8 =	sld [smem:$0x3FAB]  }
0x2e: {  	s3 =	simm.s32 @!p0 $0x1082;
	s9 =	sld [smem:$0x3FAC]  }
0x2f: {  	lr =	sadd.s32 s0, s3;
	s0 =	sld [smem:$0x3FA3]  }
0x30: {  	s3 =	sld [smem:$0x3FA6]  }
0x31: {  	[smem:$0x3FAF] =	sst s10  }
0x32: {  	s10 =	sld [smem:$0x3FAD];
	_ =	sdelay $0x3  }
0x33: {  	p0 =	seq.s32 s10, $0x1;
	s10 =	sld [smem:$0x3FAF];
	_ =	sdelay $0x3  }
0x34: {  	[smem:$0x3FAF] =	sst s10  }
0x35: {  	s10 =	sld [smem:$0x3FAE];
	_ =	sdelay $0x3  }
0x36: {  	p1 =	seq.s32 s10, $0x1;
	s10 =	sld [smem:$0x3FAF];
	_ =	sdelay $0x3  }
0x37: {  	[smem:$0x3FAF] =	sst s10  }
0x38: {  	s10 =	sld [smem:$0x3FB0]  }
0x39: {  	_ = 	snop;
	(pc) =	sbr.ind lr, $3  }
0x3a: {  	_ = 	snop  }
0x3b: {  	_ = 	snop  }
0x3c: {  	p2 =	seq.s32 s10, $0x1;
	s10 =	sld [smem:$0x3FAF]  }
0x3d: {  	_ =	shalt  }
0x3e: {  	_ =	shalt  }
0x3f: {  	_ =	shalt  }
0x40: {  	_ =	shalt  }
0x41: {  	_ =	shalt  }
0x42: {  	_ =	shalt  }
0x43: {  	_ =	shalt  }
0x44: {  	_ =	shalt  }
0x45: {  	_ =	shalt  }
0x46: {  	_ =	shalt  }
0x47: {  	_ =	shalt  }
0x48: {  	_ =	shalt  }
0x49: {  	_ =	shalt  }
0x4a: {  	_ =	shalt  }
0x4b: {  	_ =	shalt  }
0x4c: {  	_ =	shalt  }
0x4d: {  	_ =	shalt  }
0x4e: {  	_ =	shalt  }
0x4f: {  	_ =	shalt  }
0x50: {  	_ =	shalt  }
0x51: {  	_ =	shalt  }
0x52: {  	_ =	shalt  }
0x53: {  	_ =	shalt  }
0x54: {  	_ =	shalt  }
0x55: {  	_ =	shalt  }
0x56: {  	_ =	shalt  }
0x57: {  	_ =	shalt  }
0x58: {  	_ =	shalt  }
0x59: {  	_ =	shalt  }
0x5a: {  	_ =	shalt  }
0x5b: {  	_ =	shalt  }
0x5c: {  	_ =	shalt  }
0x5d: {  	_ =	shalt  }
0x5e: {  	_ =	shalt  }
0x5f: {  	_ =	shalt  }
0x60: {  	_ =	shalt  }
0x61: {  	_ =	shalt  }
0x62: {  	_ =	shalt  }
0x63: {  	_ =	shalt  }
0x64: {  	_ =	shalt  }
0x65: {  	_ =	shalt  }
0x66: {  	_ =	shalt  }
0x67: {  	_ =	shalt  }
0x68: {  	_ =	shalt  }
0x69: {  	_ =	shalt  }
0x6a: {  	_ =	shalt  }
0x6b: {  	_ =	shalt  }
0x6c: {  	_ =	shalt  }
0x6d: {  	_ =	shalt  }
0x6e: {  	_ =	shalt  }
0x6f: {  	_ =	shalt  }
0x70: {  	_ =	shalt  }
0x71: {  	_ =	shalt  }
0x72: {  	_ =	shalt  }
0x73: {  	_ =	shalt  }
0x74: {  	_ =	shalt  }
0x75: {  	_ =	shalt  }
0x76: {  	_ =	shalt  }
0x77: {  	_ =	shalt  }
0x78: {  	_ =	shalt  }
0x79: {  	_ =	shalt  }
0x7a: {  	_ =	shalt  }
0x7b: {  	_ =	shalt  }
0x7c: {  	_ =	shalt  }
0x7d: {  	_ =	shalt  }
0x7e: {  	_ =	shalt  }
0x7f: {  	_ =	shalt  }
0x80: {  	_ =	shalt  }
0x81: {  	_ =	shalt  }
0x82: {  	_ =	shalt  }
0x83: {  	_ =	shalt  }
0x84: {  	_ =	shalt  }
0x85: {  	_ =	shalt  }
0x86: {  	_ =	shalt  }
0x87: {  	_ =	shalt  }
.Lfunc_end0:
.L_simem_size_0:
called_computation_lowered:
.L_overlay_start_0:
0x88: {  	s2 =	sld [smem:$0x3FD9]  }
0x89: {  	s3 =	sld [smem:$0x3FFE];
	_ =	sdelay $0x1  }
0x8a: {  	s1 =	srdreg.scid  }
0x8b: {  	s0 =	sand.u32 $0x1, s1  }
0x8c: {  	s17 =	sshll.u32 s0, $0xA;
	s2 =	sadd.s32 s3, s2  }
0x8d: {  	s2 =	sadd.s32 s2, s17  }
0x8e: {  	[smem:$0x3FBB] =	sst s2  }
0x8f: {  	_ = 	snop  }
0x90: {  	s2 =	sld [smem:$0x3FC9]  }
0x91: {  	s18 =	sld [smem:$0x3FD0];
	(tm) =	ssettm $0x1  }
0x92: {  	s4 =	sld [smem:$0x3FFB];
	_ =	sdelay $0x3  }
0x93: {  	_ =	strace s4  }
0x94: {  	s4 =	sld [smem:$0x3FFC];
	_ =	sdelay $0x3  }
0x95: {  	_ =	strace s4  }
0x96: {  	s4 =	sld [smem:$0x3FFD];
	_ =	sdelay $0x3  }
0x97: {  	_ =	strace s4  }
0x98: {  	_ =	strace $0x8FFFFFFF  }
0x99: {  	s19 =	sld [smem:$0x3FDB];
	_ =	sdelay $0x1  }
0x9a: {  	s5 =	simm.s32 $_scs_section_size  }
0x9b: {  	s6 =	simm.s32 $_size__tile_overlayer_lowered;
	s7 =	simm.s32 $_tile_overlayer_lowered  }
0x9c: {  	s22 =	simm.s32 $0x1BFF;
	s21 =	sshll.u32 s7, $0x1;
	s4 =	sadd.s32 s5, s19  }
0x9d: {  	s8 =	simm.s32 $0x0;
	s20 =	sshll.u32 s6, $0x1;
	s6 =	sadd.s32 s21, s4  }
0x9e: {  	[timem:s8], [sflag:s22] =	dma.local [hbm:s6], s20  }
0x9f: {  	_ =	swait.ge [sflag:s22], s20  }
0xa0: {  	s5 =	ssub.s32 $0x0, s20;
	[sflag:s22] =	ssyncset.done $0x0  }
0xa1: {  	[sflag:s22] =	ssyncadd.s32 s5;
	_ =	sdelay $0x1  }
0xa2: {  	s23 =	simm.s32 $0x1B8B  }
0xa3: {  	_ =	swait.ge [sflag:s23], $0x1  }
0xa4: {  	[sflag:s23] =	ssyncset.done $0x0  }
0xa5: {  	s25 =	simm.s32 $0x1B8E;
	s24 =	sld [smem:$0x3FFE];
	[sflag:s23] =	ssyncadd.s32 $0xFFFFFFFF  }
0xa6: {  	s26 =	simm.s32 $execute0_lowered;
	[smem:$0x3FD2] =	sst s25  }
0xa7: {  	s6 =	sshll.u32 s26, $0x1;
	_ =	strace $0x80000046;
	[dreg:$0x1] =	wrdreg $0xFFFFFFFF  }
0xa8: {  	s28 =	simm.s32 $_size_execute0_lowered;
	s4 =	sadd.s32 s4, s6;
	[dreg:$0x0] =	wrdreg $0x0  }
0xa9: {  	s6 =	sshll.u32 s28, $0x1;
	[dreg:$0x2] =	wrdreg s4  }
0xaa: {  	[dreg:$0x3] =	wrdreg s6  }
0xab: {  	[dreg:$0x4] =	wrdreg $0xC0  }
0xac: {  	_ =	task [dreg:s8], $0x5FFFF  }
0xad: {  	[dreg:$0x1] =	wrdreg $0xFFFFFFFF  }
0xae: {  	[dreg:$0x0] =	wrdreg $0x60  }
0xaf: {  	[dreg:$0x2] =	wrdreg s2  }
0xb0: {  	[dreg:$0x3] =	wrdreg s24  }
0xb1: {  	[dreg:$0x4] =	wrdreg s18  }
0xb2: {  	[dreg:$0x5] =	wrdreg $0xA5000  }
0xb3: {  	[dreg:$0x6] =	wrdreg $0x9  }
0xb4: {  	_ =	task.clear_ibuf [dreg:s8], $0x7FFFF;
	_ =	strace $0x90000046  }
0xb5: {  	s29 =	simm.s32 $0x9;
	_ =	strace $0x80000048  }
0xb6: {  	_ =	swait.ge [sflag:s29], $0x1  }
0xb7: {  	[sflag:s29] =	ssyncadd.s32 $0xFFFFFFFF  }
0xb8: {  	_ =	strace $0x90000048  }
0xb9: {  	_ =	sfence  }
0xba: {  	s30 =	sld [smem:$0x0];
	_ =	sdelay $0x2  }
0xbb: {  	s31 =	sshll.u32 s1, $0xD;
	s1 =	sshrl.u32 s1, $0x2  }
0xbc: {  	s3 =	sand.u32 $0x4000, s31;
	s1 =	sadd.s32 s1, s30  }
0xbd: {  	s0 =	sor.u32 s3, s0;
	s1 =	sshll.u32 s1, $0x11  }
0xbe: {  	s0 =	sor.u32 s1, s0  }
0xbf: {  	s0 =	sadd.s32 $0x8F2B, s0  }
0xc0: {  	[sflag:s0] =	ssyncadd.remote.s32 $0x1  }
0xc1: {  	_ =	sfence.sel $0xFFFF  }
0xc2: {  	[dreg:$0x0] =	wrdreg $0xFFFFFFFF;
	(pc) =	sbr.abs _section_cstart, $3  }
0xc3: {  	[dreg:$0x1] =	wrdreg $0xFFFFFFFF  }
0xc4: {  	_ =	task.clear_ibuf [dreg:s8], $0x2FFFF;
	_ =	strace $0x9FFFFFFF  }
0xc5: {  	(tm) =	ssettm $0x7FFFFFFF  }
tec
execute0_lowered:
.L_overlay_start_1:
0x0: {  	(tag) =	ssettag $0x1  }
0x1: {  	s1 =	rddreg [dreg:$0x0]  }
0x2: {  	s2 =	rddreg [dreg:$0x1]  }
0x3: {  	s21 =	rddreg [dreg:$0x2]  }
0x4: {  	s3 =	rddreg [dreg:$0x3];
	s4 =	simm.s32 $0x0;
	s0 =	srdreg.scid  }
0x5: {  	s20 =	stileid.u32;
	s28 =	simm.s32 $0x3;
	[smem:$0x7FF] =	sst s4  }
0x6: {  	s5 =	sand.u32 $0x1, s0;
	s0 =	sadd.s32 $0x1A00, s2;
	s8 =	smul.u32 $0x280, s20  }
0x7: {  	s9 =	sadd.s32 $0xBE00, s2;
	_ =	strace $0x80000047;
	s6 =	ssub.s32 $0x2, s5  }
0x8: {  	p0 =	seq.s32 s5, $0x1;
	s5 =	smul.u32 $0x2800, s5;
	s7 =	sshrl.u32 s6, $0x1  }
0x9: {  	s10 =	sor.u32 $0x50, s8;
	s11 =	sadd.s32 $0xA0, s8;
	s12 =	sadd.s32 $0xF0, s8  }
0xa: {  	s13 =	sadd.s32 $0x140, s8;
	s15 =	sadd.s32 $0x190, s8;
	s22 =	sadd.s32 $0x1E0, s8  }
0xb: {  	s23 =	sadd.s32 $0x230, s8;
	s6 =	ssub.s32 s6, s7;
	s7 =	smul.u32 $0x4E20, s20  }
0xc: {  	s14 =	sadd.s32 s5, s8;
	s16 =	sadd.s32 s5, s10;
	s17 =	sadd.s32 s5, s12  }
0xd: {  	s18 =	sadd.s32 s5, s13;
	s25 =	sadd.s32 s5, s15;
	s26 =	sadd.s32 s5, s22  }
0xe: {  	s12 =	sshll.u32 s12, $0x7;
	s13 =	sshll.u32 s13, $0x7;
	s14 =	sshll.u32 s14, $0x4  }
0xf: {  	s16 =	sshll.u32 s16, $0x4;
	s18 =	sshll.u32 s18, $0x4;
	s30 =	sadd.s32 s13, s3  }
0x10: {  	s13 =	simm.s32 $0xA;
	s14 =	sadd.s32 s9, s14;
	s8 =	sadd.s32 s9, s16  }
0x11: {  	s16 =	sadd.s32 s5, s11;
	s24 =	sadd.s32 s9, s18;
	[dreg:$0x19] =	wrdreg s30  }
0x12: {  	s5 =	sadd.s32 s5, s23;
	s11 =	sshll.u32 s11, $0x7;
	[dreg:$0x5] =	wrdreg s14  }
0x13: {  	s23 =	sshll.u32 s23, $0x7;
	[dreg:$0x6] =	wrdreg s8;
	s14 =	sshll.u32 s16, $0x4  }
0x14: {  	s16 =	sshll.u32 s17, $0x4;
	[dreg:$0x9] =	wrdreg s24;
	s5 =	sshll.u32 s5, $0x4  }
0x15: {  	s17 =	sshll.u32 s20, $0x8;
	s14 =	sadd.s32 s9, s14;
	s19 =	sadd.s32 s9, s16  }
0x16: {  	s16 =	sshll.u32 s26, $0x4;
	s5 =	sadd.s32 s9, s5;
	[dreg:$0x7] =	wrdreg s14  }
0x17: {  	s26 =	sadd.s32 $0xB800, s2;
	[dreg:$0x8] =	wrdreg s19;
	s14 =	sshll.u32 s25, $0x4  }
0x18: {  	s8 =	sadd.s32 s9, s16;
	[dreg:$0xc] =	wrdreg s5;
	s16 =	sshrl.u32 s7, $0x3  }
0x19: {  	s19 =	smul.u32 $0x50000, s20;
	s7 =	simm.s32 $0x80;
	[dreg:$0xd] =	wrdreg s26  }
0x1a: {  	s14 =	sadd.s32 s9, s14;
	[dreg:$0xb] =	wrdreg s8;
	s9 =	sshll.u32 s20, $0x4  }
0x1b: {  	s18 =	sadd.s32 $0xA, s16;
	s24 =	sadd.s32 s0, s16;
	[dreg:$0xa] =	wrdreg s14  }
0x1c: {  	s14 =	sadd.s32 $0x4ED800, s2;
	s2 =	sadd.s32 s21, s9;
	[dreg:$0x10] =	wrdreg s24  }
0x1d: {  	s25 =	sadd.s32 s0, s18;
	s8 =	sshrl.u32 s19, $0x2;
	s9 =	sshll.u32 s10, $0x7  }
0x1e: {  	s10 =	smax.u32 s6, $0x1;
	s19 =	sadd.s32 s11, s3;
	[dreg:$0xe] =	wrdreg s2  }
0x1f: {  	s24 =	sor.u32 $0x20, s20;
	s11 =	simm.s32 $0x2D00;
	[dreg:$0x12] =	wrdreg s25  }
0x20: {  	s5 =	sadd.s32 s14, s17;
	s2 =	sadd.s32 s21, s16;
	[dreg:$0x15] =	wrdreg s10  }
0x21: {  	s29 =	sadd.s32 s8, s3;
	s31 =	sadd.s32 s9, s3;
	[dreg:$0x1d] =	wrdreg s24  }
0x22: {  	s17 =	sadd.s32 s12, s3;
	s16 =	sshll.u32 s15, $0x7;
	[dreg:$0x17] =	wrdreg s19  }
0x23: {  	s25 =	sor.u32 $0x10, s20;
	s9 =	simm.s32 $0x50;
	[dreg:$0xf] =	wrdreg s5  }
0x24: {  	s10 =	simm.s32 $0x4;
	s12 =	simm.s32 $0x1;
	[dreg:$0x11] =	wrdreg s2  }
0x25: {  	s24 =	simm.s32 $0x6;
	s15 =	simm.s32 $0x0;
	[dreg:$0x1e] =	wrdreg s25  }
0x26: {  	s5 =	sadd.s32 s21, s18;
	s18 =	sshll.u32 s22, $0x7;
	[dreg:$0x1f] =	wrdreg s15  }
0x27: {  	s22 =	smul.u32 $0x9C4, s20;
	s6 =	sadd.s32 s16, s3;
	[dreg:$0x14] =	wrdreg s29  }
0x28: {  	s2 =	sadd.s32 s23, s3;
	s16 =	ssub.s32 $0x9C4, s20;
	[dreg:$0x16] =	wrdreg s31  }
.Ltmp0:
0x29: {  	s23 =	simm.s32 $0x5;
	[dreg:$0x18] =	wrdreg s17;
	(pc) =	sbr.rel .LBB2_1-.Ltmp0, $4  }
0x2a: {  	s25 =	simm.s32 $0x8;
	[dreg:$0x13] =	wrdreg s5;
	s8 =	sadd.s32 s18, s3  }
0x2b: {  	s18 =	ssub.s32 $0x9B4, s20;
	s20 =	simm.s32 $0x500;
	[dreg:$0x1a] =	wrdreg s6  }
0x2c: {  	v0 =	vimm.f32 $0.0e+00;
	vm0 =	vcmask $0x300;
	[dreg:$0x1c] =	wrdreg s2;
	s0 =	sadd.s32 s22, s0;
	s5 =	sadd.s32 s22, s21  }
0x2d: {  	v0 =	vsel vm0, $0x3F800000, v0;
	s21 =	simm.s32 $0x9;
	s22 =	simm.s32 $0x2;
	[dreg:$0x1b] =	wrdreg s8  }
.LBB2_19:
0x2e: {  	[bflag:$0x0] =	sbarrier.arrive $0xFFFF  }
0x2f: {  	s29 =	rddreg [dreg:$0x14]  }
0x30: {  	[tilespmem:s20], [sflag:$0x9] =	stream.linear.gather [spmem:s29], $0x2800, $0x38;
	[tilespmem:$0x1E500] =	vst v63  }
0x31: {  	_ =	swait.ge [sflag:s21], $0x2800  }
0x32: {  	[sflag:s21] =	ssyncset.done $0x0  }
0x33: {  	s2 =	rddreg [dreg:$0x5];
	[sflag:s21] =	ssyncadd.s32 $0xFFFFD800  }
0x34: {  	[hbm4b:s2+s4] =	stream.linear.scatter [tilespmem:s20], [sflag:$0x9], $0x2800, $0x38;
	[tilespmem:$0x1E500] =	vst v63  }
0x35: {  	_ =	swait.ge [sflag:s21], $0x2800  }
0x36: {  	[sflag:s21] =	ssyncset.done $0x0  }
0x37: {  	s31 =	rddreg [dreg:$0x16];
	[sflag:s21] =	ssyncadd.s32 $0xFFFFD800  }
0x38: {  	[tilespmem:s20], [sflag:$0x9] =	stream.linear.gather [spmem:s31], $0x2800, $0x38;
	[tilespmem:$0x1E500] =	vst v63  }
0x39: {  	_ =	swait.ge [sflag:s21], $0x2800  }
0x3a: {  	[sflag:s21] =	ssyncset.done $0x0  }
0x3b: {  	s19 =	rddreg [dreg:$0x6];
	[sflag:s21] =	ssyncadd.s32 $0xFFFFD800  }
0x3c: {  	[hbm4b:s19+s4] =	stream.linear.scatter [tilespmem:s20], [sflag:$0x9], $0x2800, $0x38;
	[tilespmem:$0x1E500] =	vst v63  }
0x3d: {  	_ =	swait.ge [sflag:s21], $0x2800  }
0x3e: {  	[sflag:s21] =	ssyncset.done $0x0  }
0x3f: {  	s19 =	rddreg [dreg:$0x17];
	[sflag:s21] =	ssyncadd.s32 $0xFFFFD800  }
0x40: {  	[tilespmem:s20], [sflag:$0x9] =	stream.linear.gather [spmem:s19], $0x2800, $0x38;
	[tilespmem:$0x1E500] =	vst v63  }
0x41: {  	_ =	swait.ge [sflag:s21], $0x2800  }
0x42: {  	[sflag:s21] =	ssyncset.done $0x0  }
0x43: {  	s26 =	rddreg [dreg:$0x7];
	[sflag:s21] =	ssyncadd.s32 $0xFFFFD800  }
0x44: {  	[hbm4b:s26+s4] =	stream.linear.scatter [tilespmem:s20], [sflag:$0x9], $0x2800, $0x38;
	[tilespmem:$0x1E500] =	vst v63  }
0x45: {  	_ =	swait.ge [sflag:s21], $0x2800  }
0x46: {  	[sflag:s21] =	ssyncset.done $0x0  }
0x47: {  	s17 =	rddreg [dreg:$0x18];
	[sflag:s21] =	ssyncadd.s32 $0xFFFFD800  }
0x48: {  	[tilespmem:s20], [sflag:$0x9] =	stream.linear.gather [spmem:s17], $0x2800, $0x38;
	[tilespmem:$0x1E500] =	vst v63  }
0x49: {  	_ =	swait.ge [sflag:s21], $0x2800  }
0x4a: {  	[sflag:s21] =	ssyncset.done $0x0  }
0x4b: {  	s6 =	rddreg [dreg:$0x8];
	[sflag:s21] =	ssyncadd.s32 $0xFFFFD800  }
0x4c: {  	[hbm4b:s6+s4] =	stream.linear.scatter [tilespmem:s20], [sflag:$0x9], $0x2800, $0x38;
	[tilespmem:$0x1E500] =	vst v63  }
0x4d: {  	_ =	swait.ge [sflag:s21], $0x2800  }
0x4e: {  	[sflag:s21] =	ssyncset.done $0x0  }
0x4f: {  	s30 =	rddreg [dreg:$0x19];
	[sflag:s21] =	ssyncadd.s32 $0xFFFFD800  }
0x50: {  	[tilespmem:s20], [sflag:$0x9] =	stream.linear.gather [spmem:s30], $0x2800, $0x38;
	[tilespmem:$0x1E500] =	vst v63  }
0x51: {  	_ =	swait.ge [sflag:s21], $0x2800  }
0x52: {  	[sflag:s21] =	ssyncset.done $0x0  }
0x53: {  	s8 =	rddreg [dreg:$0x9];
	[sflag:s21] =	ssyncadd.s32 $0xFFFFD800  }
0x54: {  	[hbm4b:s8+s4] =	stream.linear.scatter [tilespmem:s20], [sflag:$0x9], $0x2800, $0x38;
	[tilespmem:$0x1E500] =	vst v63  }
0x55: {  	_ =	swait.ge [sflag:s21], $0x2800  }
0x56: {  	[sflag:s21] =	ssyncset.done $0x0  }
0x57: {  	s6 =	rddreg [dreg:$0x1a];
	[sflag:s21] =	ssyncadd.s32 $0xFFFFD800  }
0x58: {  	[tilespmem:s20], [sflag:$0x9] =	stream.linear.gather [spmem:s6], $0x2800, $0x38;
	[tilespmem:$0x1E500] =	vst v63  }
0x59: {  	_ =	swait.ge [sflag:s21], $0x2800  }
0x5a: {  	[sflag:s21] =	ssyncset.done $0x0  }
0x5b: {  	s15 =	rddreg [dreg:$0xa];
	[sflag:s21] =	ssyncadd.s32 $0xFFFFD800  }
0x5c: {  	[hbm4b:s15+s4] =	stream.linear.scatter [tilespmem:s20], [sflag:$0x9], $0x2800, $0x38;
	[tilespmem:$0x1E500] =	vst v63  }
0x5d: {  	_ =	swait.ge [sflag:s21], $0x2800  }
0x5e: {  	[sflag:s21] =	ssyncset.done $0x0  }
0x5f: {  	s8 =	rddreg [dreg:$0x1b];
	[sflag:s21] =	ssyncadd.s32 $0xFFFFD800  }
0x60: {  	[tilespmem:s20], [sflag:$0x9] =	stream.linear.gather [spmem:s8], $0x2800, $0x38;
	[tilespmem:$0x1E500] =	vst v63  }
0x61: {  	_ =	swait.ge [sflag:s21], $0x2800  }
0x62: {  	[sflag:s21] =	ssyncset.done $0x0  }
0x63: {  	s26 =	rddreg [dreg:$0xb];
	[sflag:s21] =	ssyncadd.s32 $0xFFFFD800  }
0x64: {  	[hbm4b:s26+s4] =	stream.linear.scatter [tilespmem:s20], [sflag:$0x9], $0x2800, $0x38;
	[tilespmem:$0x1E500] =	vst v63  }
0x65: {  	_ =	swait.ge [sflag:s21], $0x2800  }
0x66: {  	[sflag:s21] =	ssyncset.done $0x0  }
0x67: {  	s26 =	rddreg [dreg:$0x1c];
	[sflag:s21] =	ssyncadd.s32 $0xFFFFD800  }
0x68: {  	[tilespmem:s20], [sflag:$0x9] =	stream.linear.gather [spmem:s26], $0x2800, $0x38;
	[tilespmem:$0x1E500] =	vst v63  }
0x69: {  	_ =	swait.ge [sflag:s21], $0x2800  }
0x6a: {  	[sflag:s21] =	ssyncset.done $0x0  }
0x6b: {  	s15 =	rddreg [dreg:$0xc];
	[sflag:s21] =	ssyncadd.s32 $0xFFFFD800  }
0x6c: {  	[hbm4b:s15+s4] =	stream.linear.scatter [tilespmem:s20], [sflag:$0x9], $0x2800, $0x38;
	[tilespmem:$0x1E500] =	vst v63  }
0x6d: {  	_ =	swait.ge [sflag:s21], $0x2800  }
0x6e: {  	s15 =	rddreg [dreg:$0x1f]  }
0x6f: {  	s2 =	rddreg [dreg:$0x15];
	s15 =	sadd.s32 $0x1, s15  }
0x70: {  	p1 =	sne.s32 s15, s2  }
.Ltmp1:
0x71: {  	_ = 	snop;
	(pc) =	sbr.rel @!p1 .LBB2_20-.Ltmp1, $3  }
0x72: {  	_ =	sdelay $0x1  }
0x73: {  	[sflag:s21] =	ssyncset.done $0x0;
	[dreg:$0x1f] =	wrdreg s15  }
0x74: {  	[sflag:s21] =	ssyncadd.s32 $0xFFFFD800;
	s2 =	smov.u32 s26;
	s26 =	rddreg [dreg:$0xd]  }
.LBB2_1:
0x75: {  	[tilespmem:s20], [sflag:$0x9] =	stream.linear.gather [hbm4b:s26+s4], $0x2800, $0x38;
	[tilespmem:$0x1E500] =	vst v63  }
0x76: {  	_ =	swait.ge [sflag:s21], $0x2800  }
0x77: {  	[sflag:s21] =	ssyncset.done $0x0  }
0x78: {  	[sflag:s21] =	ssyncadd.s32 $0xFFFFD800  }
0x79: {  	[spmem:s29] =	stream.linear.scatter [tilespmem:s20], [sflag:$0x9], $0x2800, $0x38;
	[tilespmem:$0x1E500] =	vst v63  }
0x7a: {  	_ =	swait.ge [sflag:s21], $0x2800  }
0x7b: {  	[sflag:s21] =	ssyncset.done $0x0  }
0x7c: {  	[sflag:s21] =	ssyncadd.s32 $0xFFFFD800  }
0x7d: {  	[spmem:s31] =	stream.linear.scatter [tilespmem:s20], [sflag:$0x9], $0x2800, $0x38;
	[tilespmem:$0x1E500] =	vst v63  }
0x7e: {  	_ =	swait.ge [sflag:s21], $0x2800  }
0x7f: {  	[sflag:s21] =	ssyncset.done $0x0  }
0x80: {  	[sflag:s21] =	ssyncadd.s32 $0xFFFFD800  }
0x81: {  	[spmem:s19] =	stream.linear.scatter [tilespmem:s20], [sflag:$0x9], $0x2800, $0x38;
	[tilespmem:$0x1E500] =	vst v63  }
0x82: {  	_ =	swait.ge [sflag:s21], $0x2800  }
0x83: {  	[sflag:s21] =	ssyncset.done $0x0  }
0x84: {  	[sflag:s21] =	ssyncadd.s32 $0xFFFFD800  }
0x85: {  	[spmem:s17] =	stream.linear.scatter [tilespmem:s20], [sflag:$0x9], $0x2800, $0x38;
	[tilespmem:$0x1E500] =	vst v63  }
0x86: {  	_ =	swait.ge [sflag:s21], $0x2800  }
0x87: {  	[sflag:s21] =	ssyncset.done $0x0  }
0x88: {  	[sflag:s21] =	ssyncadd.s32 $0xFFFFD800  }
0x89: {  	[spmem:s30] =	stream.linear.scatter [tilespmem:s20], [sflag:$0x9], $0x2800, $0x38;
	[tilespmem:$0x1E500] =	vst v63  }
0x8a: {  	_ =	swait.ge [sflag:s21], $0x2800  }
0x8b: {  	[sflag:s21] =	ssyncset.done $0x0  }
0x8c: {  	[sflag:s21] =	ssyncadd.s32 $0xFFFFD800  }
0x8d: {  	[spmem:s6] =	stream.linear.scatter [tilespmem:s20], [sflag:$0x9], $0x2800, $0x38;
	[tilespmem:$0x1E500] =	vst v63  }
0x8e: {  	_ =	swait.ge [sflag:s21], $0x2800  }
0x8f: {  	[sflag:s21] =	ssyncset.done $0x0  }
0x90: {  	[sflag:s21] =	ssyncadd.s32 $0xFFFFD800  }
0x91: {  	[spmem:s8] =	stream.linear.scatter [tilespmem:s20], [sflag:$0x9], $0x2800, $0x38;
	[tilespmem:$0x1E500] =	vst v63  }
0x92: {  	_ =	swait.ge [sflag:s21], $0x2800  }
0x93: {  	[sflag:s21] =	ssyncset.done $0x0  }
0x94: {  	[sflag:s21] =	ssyncadd.s32 $0xFFFFD800  }
0x95: {  	[spmem:s2] =	stream.linear.scatter [tilespmem:s20], [sflag:$0x9], $0x2800, $0x38;
	[tilespmem:$0x1E500] =	vst v63  }
.Ltmp2:
0x96: {  	_ =	swait.ge [sflag:s21], $0x2800;
	(pc) =	sbr.rel @!p0 .LBB2_2-.Ltmp2, $3  }
0x97: {  	[sflag:s21] =	ssyncset.done $0x0  }
0x98: {  	[sflag:s21] =	ssyncadd.s32 $0xFFFFD800  }
0x99: {  	[bflag:$0x0] =	sbarrier.arrive $0xFFFF;
	_ =	sdelay $0x1  }
0x9a: {  	s26 =	simm.s32 $0x0;
	s2 =	rddreg [dreg:$0x10]  }
0x9b: {  	[tilespmem:s26], [sflag:$0x3] =	stream.linear.gather [hbm4b:s2+s26], $0x50, $0x38;
	[tilespmem:$0x1E500] =	vst v63  }
0x9c: {  	s15 =	rddreg [dreg:$0x11];
	s6 =	simm.s32 $0x200  }
0x9d: {  	[tilespmem:s6], [sflag:$0x3] =	stream.linear.gather [hbm4b:s15+s26], $0x50, $0x38;
	[tilespmem:$0x1E500] =	vst v63  }
0x9e: {  	s17 =	rddreg [dreg:$0x12]  }
0x9f: {  	[tilespmem:s7], [sflag:$0x4] =	stream.linear.gather [hbm4b:s17+s26], $0x50, $0x38;
	[tilespmem:$0x1E500] =	vst v63  }
0xa0: {  	s19 =	rddreg [dreg:$0x13];
	s8 =	simm.s32 $0x280;
	s31 =	simm.s32 $0x3  }
0xa1: {  	[tilespmem:s8], [sflag:$0x4] =	stream.linear.gather [hbm4b:s19+s26], $0x50, $0x38;
	[tilespmem:$0x1E500] =	vst v63  }
0xa2: {  	_ =	swait.ge [sflag:s31], $0x50  }
0xa3: {  	[sflag:s31] =	ssyncset.done $0x0  }
.Ltmp3:
0xa4: {  	[sflag:s31] =	ssyncadd.s32 $0xFFFFFFB0;
	(pc) =	sbr.rel .LBB2_15-.Ltmp3, $4  }
0xa5: {  	_ =	swait.ge [sflag:s31], $0x50  }
0xa6: {  	[sflag:s31] =	ssyncset.done $0x0  }
0xa7: {  	s29 =	simm.s32 $0x100;
	s30 =	simm.s32 $0x180;
	[sflag:s31] =	ssyncadd.s32 $0xFFFFFFB0  }
0xa8: {  	[tilespmem:s20], [sflag:$0x1] =	stream.indirect.gather [hbm4b:s1+s9], $0x80, s26, s9, $0xb8;
	[tilespmem:$0x1E500] =	vst v63  }
.LBB2_17:
0xa9: {  	_ =	swait.ge [sflag:s22], $0x2800  }
0xaa: {  	[sflag:s22] =	ssyncset.done $0x0  }
0xab: {  	s2 =	simm.s32 $0xA;
	[sflag:s22] =	ssyncadd.s32 $0xFFFFD800  }
0xac: {  	[spmem:s3] =	stream.indirect.scatter.add.f32 [tilespmem:s11], [sflag:$0xA], $0x80, s8, s9, $0xb8;
	[tilespmem:$0x1E500] =	vst v63  }
.LBB2_18:
0xad: {  	s26 =	sadd.s32 $0x28, s26  }
0xae: {  	p1 =	sne.s32 s26, $0x9D8  }
.Ltmp4:
0xaf: {  	_ = 	snop;
	(pc) =	sbr.rel @!p1 .LBB2_19-.Ltmp4, $4  }
0xb0: {  	_ = 	snop  }
0xb1: {  	_ =	swait.ge [sflag:s2], $0x2800  }
0xb2: {  	[sflag:s2] =	ssyncset.done $0x0  }
0xb3: {  	s31 =	sadd.s32 $0x4, s31;
	[sflag:s2] =	ssyncadd.s32 $0xFFFFD800  }
.LBB2_15:
0xb4: {  	s2 =	sadd.s32 $0xFFFFFFFF, s31  }
0xb5: {  	p1 =	sgt.u32 s2, $0xF9  }
0xb6: {  	s2 =	sadd.s32 @!p1 s26, s0  }
0xb7: {  	s17 =	simm.s32 @!p1 $0x0;
	s19 =	simm.s32 @!p1 $0x100;
	s2 =	sadd.s32 @!p1 $0x14, s2  }
0xb8: {  	[tilespmem:s19], [sflag:$0x5] =	stream.linear.gather @!p1 [hbm4b:s2+s17], $0x50, $0x38;
	[tilespmem:$0x1E500] =	vst v63  }
0xb9: {  	s2 =	sadd.s32 @!p1 s26, s5  }
0xba: {  	s19 =	simm.s32 @!p1 $0x300;
	s2 =	sadd.s32 @!p1 $0x14, s2  }
0xbb: {  	[tilespmem:s19], [sflag:$0x5] =	stream.linear.gather @!p1 [hbm4b:s2+s17], $0x50, $0x38;
	[tilespmem:$0x1E500] =	vst v63  }
0xbc: {  	_ =	swait.ge [sflag:s10], $0x50  }
0xbd: {  	[sflag:s10] =	ssyncset.done $0x0  }
0xbe: {  	[sflag:s10] =	ssyncadd.s32 $0xFFFFFFB0  }
0xbf: {  	_ =	swait.ge [sflag:s10], $0x50  }
0xc0: {  	[sflag:s10] =	ssyncset.done $0x0  }
0xc1: {  	[sflag:s10] =	ssyncadd.s32 $0xFFFFFFB0  }
0xc2: {  	[tilespmem:s11], [sflag:$0x2] =	stream.indirect.gather [hbm4b:s1+s9], $0x80, s7, s9, $0xb8;
	[tilespmem:$0x1E500] =	vst v63  }
0xc3: {  	_ =	swait.ge [sflag:s12], $0x2800  }
0xc4: {  	[sflag:s12] =	ssyncset.done $0x0  }
0xc5: {  	p2 =	sgt.u32 s31, $0xF9;
	[sflag:s12] =	ssyncadd.s32 $0xFFFFD800  }
0xc6: {  	[spmem:s3] =	stream.indirect.scatter.add.f32 [tilespmem:s20], [sflag:$0xA], $0x80, s6, s9, $0xb8;
	[tilespmem:$0x1E500] =	vst v63  }
0xc7: {  	s2 =	sadd.s32 @!p2 s26, s0;
	_ =	swait.ge [sflag:s13], $0x2800  }
0xc8: {  	s17 =	simm.s32 @!p2 $0x0;
	s19 =	simm.s32 @!p2 $0x180;
	[sflag:s13] =	ssyncset.done $0x0  }
.Ltmp5:
0xc9: {  	s2 =	sadd.s32 @!p2 $0x1E, s2;
	[sflag:s13] =	ssyncadd.s32 $0xFFFFD800;
	(pc) =	sbr.rel @p1 .LBB2_17-.Ltmp5, $4  }
0xca: {  	[tilespmem:s19], [sflag:$0x6] =	stream.linear.gather @!p2 [hbm4b:s2+s17], $0x50, $0x38;
	[tilespmem:$0x1E500] =	vst v63  }
0xcb: {  	s2 =	sadd.s32 @!p2 s26, s5  }
0xcc: {  	s19 =	simm.s32 @!p2 $0x380;
	s2 =	sadd.s32 @!p2 $0x1E, s2  }
0xcd: {  	[tilespmem:s19], [sflag:$0x6] =	stream.linear.gather @!p2 [hbm4b:s2+s17], $0x50, $0x38;
	[tilespmem:$0x1E500] =	vst v63  }
0xce: {  	_ =	swait.ge [sflag:s23], $0x50  }
0xcf: {  	[sflag:s23] =	ssyncset.done $0x0  }
0xd0: {  	[sflag:s23] =	ssyncadd.s32 $0xFFFFFFB0  }
0xd1: {  	_ =	swait.ge [sflag:s23], $0x50  }
0xd2: {  	[sflag:s23] =	ssyncset.done $0x0  }
0xd3: {  	[sflag:s23] =	ssyncadd.s32 $0xFFFFFFB0  }
0xd4: {  	[tilespmem:s20], [sflag:$0x1] =	stream.indirect.gather [hbm4b:s1+s9], $0x80, s29, s9, $0xb8;
	[tilespmem:$0x1E500] =	vst v63  }
0xd5: {  	_ =	swait.ge [sflag:s22], $0x2800  }
0xd6: {  	[sflag:s22] =	ssyncset.done $0x0  }
0xd7: {  	[sflag:s22] =	ssyncadd.s32 $0xFFFFD800  }
0xd8: {  	[spmem:s3] =	stream.indirect.scatter.add.f32 [tilespmem:s11], [sflag:$0xA], $0x80, s8, s9, $0xb8;
	[tilespmem:$0x1E500] =	vst v63  }
0xd9: {  	_ =	swait.ge [sflag:s13], $0x2800  }
0xda: {  	s2 =	sadd.s32 s26, s0;
	[sflag:s13] =	ssyncset.done $0x0  }
0xdb: {  	s17 =	sadd.s32 $0x28, s2;
	[sflag:s13] =	ssyncadd.s32 $0xFFFFD800  }
0xdc: {  	[tilespmem:s4], [sflag:$0x3] =	stream.linear.gather [hbm4b:s17+s4], $0x50, $0x38;
	[tilespmem:$0x1E500] =	vst v63  }
0xdd: {  	s17 =	sadd.s32 s26, s5  }
0xde: {  	s19 =	sadd.s32 $0x28, s17  }
0xdf: {  	[tilespmem:s6], [sflag:$0x3] =	stream.linear.gather [hbm4b:s19+s4], $0x50, $0x38;
	[tilespmem:$0x1E500] =	vst v63  }
0xe0: {  	_ =	swait.ge [sflag:s24], $0x50  }
0xe1: {  	[sflag:s24] =	ssyncset.done $0x0  }
0xe2: {  	[sflag:s24] =	ssyncadd.s32 $0xFFFFFFB0  }
0xe3: {  	_ =	swait.ge [sflag:s24], $0x50  }
0xe4: {  	[sflag:s24] =	ssyncset.done $0x0  }
0xe5: {  	[sflag:s24] =	ssyncadd.s32 $0xFFFFFFB0  }
0xe6: {  	[tilespmem:s11], [sflag:$0x2] =	stream.indirect.gather [hbm4b:s1+s9], $0x80, s30, s9, $0xb8;
	[tilespmem:$0x1E500] =	vst v63  }
0xe7: {  	_ =	swait.ge [sflag:s12], $0x2800  }
0xe8: {  	[sflag:s12] =	ssyncset.done $0x0  }
0xe9: {  	s15 =	simm.s32 $0x300;
	[sflag:s12] =	ssyncadd.s32 $0xFFFFD800  }
0xea: {  	[spmem:s3] =	stream.indirect.scatter.add.f32 [tilespmem:s20], [sflag:$0xA], $0x80, s15, s9, $0xb8;
	[tilespmem:$0x1E500] =	vst v63  }
0xeb: {  	_ =	swait.ge [sflag:s13], $0x2800  }
0xec: {  	[sflag:s13] =	ssyncset.done $0x0  }
0xed: {  	s2 =	sadd.s32 $0x32, s2;
	[sflag:s13] =	ssyncadd.s32 $0xFFFFD800  }
0xee: {  	[tilespmem:s7], [sflag:$0x4] =	stream.linear.gather [hbm4b:s2+s4], $0x50, $0x38;
	[tilespmem:$0x1E500] =	vst v63  }
0xef: {  	s17 =	sadd.s32 $0x32, s17  }
0xf0: {  	[tilespmem:s8], [sflag:$0x4] =	stream.linear.gather [hbm4b:s17+s4], $0x50, $0x38;
	[tilespmem:$0x1E500] =	vst v63  }
0xf1: {  	_ =	swait.ge [sflag:s28], $0x50  }
0xf2: {  	[sflag:s28] =	ssyncset.done $0x0  }
0xf3: {  	[sflag:s28] =	ssyncadd.s32 $0xFFFFFFB0  }
0xf4: {  	_ =	swait.ge [sflag:s28], $0x50  }
0xf5: {  	[sflag:s28] =	ssyncset.done $0x0  }
0xf6: {  	[sflag:s28] =	ssyncadd.s32 $0xFFFFFFB0  }
0xf7: {  	[tilespmem:s20], [sflag:$0x1] =	stream.indirect.gather [hbm4b:s1+s9], $0x80, s4, s9, $0xb8;
	[tilespmem:$0x1E500] =	vst v63  }
.Ltmp6:
0xf8: {  	_ = 	snop;
	(pc) =	sbr.rel .LBB2_18-.Ltmp6, $4  }
0xf9: {  	_ =	swait.ge [sflag:s22], $0x2800  }
0xfa: {  	[sflag:s22] =	ssyncset.done $0x0  }
0xfb: {  	s19 =	simm.s32 $0x380;
	s2 =	simm.s32 $0x9;
	[sflag:s22] =	ssyncadd.s32 $0xFFFFD800  }
0xfc: {  	[spmem:s3] =	stream.indirect.scatter.add.f32 [tilespmem:s11], [sflag:$0x9], $0x80, s19, s9, $0xb8;
	[tilespmem:$0x1E500] =	vst v63  }
.LBB2_2:
0xfd: {  	s2 =	simm.s32 $0x0;
	s6 =	simm.s32 $0x6500  }
0xfe: {  	[tilespmem:s6], [sflag:$0x9] =	stream.linear.gather [hbm4b:s26+s2], $0x2800, $0x38;
	[tilespmem:$0x1E500] =	vst v63  }
0xff: {  	_ =	swait.ge [sflag:s21], $0x2800  }
0x100: {  	[sflag:s21] =	ssyncset.done $0x0  }
0x101: {  	s31 =	simm.s32 $0x7D00;
	[sflag:s21] =	ssyncadd.s32 $0xFFFFD800  }
0x102: {  	[tilespmem:s31], [sflag:$0x9] =	stream.linear.gather [hbm4b:s26+s2], $0x2800, $0x38;
	[tilespmem:$0x1E500] =	vst v63  }
0x103: {  	s17 =	simm.s32 $0x0;
	_ =	swait.ge [sflag:s21], $0x2800  }
0x104: {  	s15 =	simm.s32 $0x7;
	[sflag:s21] =	ssyncset.done $0x0;
	s6 =	rddreg [dreg:$0x1d]  }
0x105: {  	s2 =	simm.s32 $0x200;
	s8 =	rddreg [dreg:$0x1e];
	[sflag:s21] =	ssyncadd.s32 $0xFFFFD800  }
.LBB2_3:
0x106: {  	p1 =	sne.s32 s2, $0xFE00;
	[tilespmem:s17+$0x6510] =	vst v0;
	s17 =	smov.u32 s2;
	s2 =	sadd.s32 $0x200, s2  }
.Ltmp7:
0x107: {  	(pc) =	sbr.rel @p1 .LBB2_3-.Ltmp7, $2  }
0x108: {  	_ =	sdelay $0x2  }
0x109: {  	s17 =	sshra.s32 s17, $0x2  }
0x10a: {  	[tilespmem:s17+$0x6510] =	vst v0;
	s26 =	simm.s32 $0x0;
	s2 =	rddreg [dreg:$0xe];
	s29 =	simm.s32 $0x400  }
0x10b: {  	[tilespmem:s29], [sflag:$0x9] =	stream.linear.gather [hbm4b:s2+s26], $0x80, $0x38;
	[tilespmem:$0x1E500] =	vst v63  }
.Ltmp8:
0x10c: {  	_ = 	snop;
	(pc) =	sbr.rel .LBB2_5-.Ltmp8, $4  }
0x10d: {  	_ =	swait.ge [sflag:s21], $0x80  }
0x10e: {  	[sflag:s21] =	ssyncset.done $0x0  }
0x10f: {  	s31 =	simm.s32 $0x5500;
	s30 =	rddreg [dreg:$0xf];
	[sflag:s21] =	ssyncadd.s32 $0xFFFFFF80  }
0x110: {  	[tilespmem:s31], [sflag:$0x7] =	stream.linear.gather [hbm4b:s30+s26], $0x800, $0x38;
	[tilespmem:$0x1E500] =	vst v63  }
.LBB2_13:
0x111: {  	s26 =	sadd.s32 $0x1, s26  }
0x112: {  	p1 =	seq.s32 s26, $0x4F  }
.Ltmp9:
0x113: {  	_ = 	snop;
	(pc) =	sbr.rel @p1 .LBB2_19-.Ltmp9, $1  }
0x114: {  	_ =	sdelay $0x3  }
.LBB2_5:
0x115: {  	s31 =	sshll.u32 s26, $0x5  }
0x116: {  	p1 =	sge.u32 s31, s16  }
.Ltmp10:
0x117: {  	_ = 	snop;
	(pc) =	sbr.rel @p1 .LBB2_9-.Ltmp10, $1  }
0x118: {  	_ =	sdelay $0x3  }
0x119: {  	_ =	swait.ge [sflag:s15], $0x800  }
0x11a: {  	s2 =	sor.u32 s8, s31;
	[sflag:s15] =	ssyncset.done $0x0  }
0x11b: {  	p1 =	sgt.u32 s2, $0x9C3;
	[sflag:s15] =	ssyncadd.s32 $0xFFFFF800  }
0x11c: {  	s17 =	sshll.u32 @!p1 s2, $0x4;
	s19 =	rddreg [dreg:$0x2]  }
0x11d: {  	s29 =	simm.s32 @!p1 $0x0;
	s17 =	sadd.s32 @!p1 s19, s17;
	s19 =	simm.s32 @!p1 $0x480  }
0x11e: {  	[tilespmem:s19], [sflag:$0xA] =	stream.linear.gather @!p1 [hbm4b:s17+s29], $0x80, $0x38;
	[tilespmem:$0x1E500] =	vst v63  }
0x11f: {  	s17 =	simm.s32 @!p1 $0xA  }
0x120: {  	_ =	swait.ge @!p1 [sflag:s17], $0x80  }
0x121: {  	s2 =	sshll.u32 @!p1 s2, $0x8;
	[sflag:s17] =	ssyncset.done @!p1 $0x0  }
0x122: {  	s2 =	sadd.s32 @!p1 s14, s2;
	[sflag:s17] =	ssyncadd.s32 @!p1 $0xFFFFFF80;
	s17 =	simm.s32 @!p1 $0x5D00  }
0x123: {  	[tilespmem:s17], [sflag:$0x8] =	stream.linear.gather @!p1 [hbm4b:s2+s29], $0x800, $0x38;
	[tilespmem:$0x1E500] =	vst v63  }
0x124: {  	s2 =	simm.s32 $0x5540  }
0x125: {  	s29 =	simm.s32 $0x0;
	s17 =	simm.s32 $0x1000;
	v1 =	vld [tilespmem:s2+$0xFFFFFFC0]  }
.LBB2_7:
0x126: {  	p1 =	sne.s32 s17, $0xF000;
	_ =	sdelay $0x2  }
0x127: {  	s19 =	sshra.s32 s29, $0x2;
	s29 =	smov.u32 s17  }
0x128: {  	[tilespmem:s19+$0x6500] =	vst v1  }
0x129: {  	v1 =	vld [tilespmem:s2+$0xFFFFFFD0];
	_ =	sdelay $0x4  }
0x12a: {  	[tilespmem:s19+$0x6580] =	vst v1  }
0x12b: {  	v1 =	vld [tilespmem:s2+$0xFFFFFFE0];
	_ =	sdelay $0x4  }
0x12c: {  	[tilespmem:s19+$0x6600] =	vst v1  }
0x12d: {  	v1 =	vld [tilespmem:s2+$0xFFFFFFF0];
	_ =	sdelay $0x4  }
0x12e: {  	[tilespmem:s19+$0x6680] =	vst v1  }
0x12f: {  	v1 =	vld [tilespmem:s2+$0x0];
	_ =	sdelay $0x4  }
0x130: {  	[tilespmem:s19+$0x6700] =	vst v1  }
0x131: {  	v1 =	vld [tilespmem:s2+$0x10];
	_ =	sdelay $0x4  }
0x132: {  	[tilespmem:s19+$0x6780] =	vst v1  }
0x133: {  	v1 =	vld [tilespmem:s2+$0x20];
	_ =	sdelay $0x4  }
0x134: {  	[tilespmem:s19+$0x6800] =	vst v1  }
0x135: {  	v1 =	vld [tilespmem:s2+$0x30];
	_ =	sdelay $0x1  }
.Ltmp11:
0x136: {  	(pc) =	sbr.rel @p1 .LBB2_7-.Ltmp11, $3  }
0x137: {  	_ =	sdelay $0x1  }
0x138: {  	s2 =	sadd.s32 $0x80, s2;
	[tilespmem:s19+$0x6880] =	vst v1  }
0x139: {  	s17 =	sadd.s32 $0x1000, s17;
	v1 =	vld [tilespmem:s2+$0xFFFFFFC0]  }
0x13a: {  	_ =	sdelay $0x2  }
0x13b: {  	s17 =	sshra.s32 s29, $0x2  }
0x13c: {  	[tilespmem:s17+$0x6500] =	vst v1  }
0x13d: {  	v1 =	vld [tilespmem:s2+$0xFFFFFFD0];
	_ =	sdelay $0x4  }
0x13e: {  	[tilespmem:s17+$0x6580] =	vst v1  }
0x13f: {  	v1 =	vld [tilespmem:s2+$0xFFFFFFE0];
	_ =	sdelay $0x4  }
0x140: {  	[tilespmem:s17+$0x6600] =	vst v1  }
0x141: {  	v1 =	vld [tilespmem:s2+$0xFFFFFFF0];
	_ =	sdelay $0x4  }
0x142: {  	[tilespmem:s17+$0x6680] =	vst v1  }
0x143: {  	v1 =	vld [tilespmem:s2+$0x0];
	_ =	sdelay $0x4  }
0x144: {  	[tilespmem:s17+$0x6700] =	vst v1  }
0x145: {  	v1 =	vld [tilespmem:s2+$0x10];
	_ =	sdelay $0x4  }
0x146: {  	[tilespmem:s17+$0x6780] =	vst v1  }
0x147: {  	v1 =	vld [tilespmem:s2+$0x20];
	_ =	sdelay $0x4  }
0x148: {  	[tilespmem:s17+$0x6800] =	vst v1  }
0x149: {  	v1 =	vld [tilespmem:s2+$0x30];
	_ =	sdelay $0x4  }
0x14a: {  	s29 =	simm.s32 $0x6500;
	s30 =	simm.s32 $0x400;
	[tilespmem:s17+$0x6880] =	vst v1  }
0x14b: {  	[spmem:s3] =	stream.indirect.scatter.add.f32 [tilespmem:s29], [sflag:$0xA], $0x80, s30, s7, $0xb8;
	[tilespmem:$0x1E500] =	vst v63  }
0x14c: {  	_ =	swait.ge [sflag:s13], $0x4000  }
0x14d: {  	[sflag:s13] =	ssyncset.done $0x0  }
0x14e: {  	[sflag:s13] =	ssyncadd.s32 $0xFFFFC000  }
.LBB2_9:
0x14f: {  	p1 =	sge.u32 s31, s18  }
.Ltmp12:
0x150: {  	_ = 	snop;
	(pc) =	sbr.rel @p1 .LBB2_13-.Ltmp12, $1  }
0x151: {  	_ =	sdelay $0x3  }
0x152: {  	_ =	swait.ge [sflag:s25], $0x800  }
0x153: {  	s2 =	sadd.s32 s6, s31;
	[sflag:s25] =	ssyncset.done $0x0  }
0x154: {  	p1 =	sgt.u32 s2, $0x9C3;
	[sflag:s25] =	ssyncadd.s32 $0xFFFFF800  }
0x155: {  	s17 =	sshll.u32 @!p1 s2, $0x4;
	s19 =	rddreg [dreg:$0x2]  }
0x156: {  	s29 =	simm.s32 @!p1 $0x400;
	s17 =	sadd.s32 @!p1 s19, s17;
	s19 =	simm.s32 @!p1 $0x0  }
0x157: {  	[tilespmem:s29], [sflag:$0xA] =	stream.linear.gather @!p1 [hbm4b:s17+s19], $0x80, $0x38;
	[tilespmem:$0x1E500] =	vst v63  }
0x158: {  	s17 =	simm.s32 @!p1 $0xA  }
0x159: {  	_ =	swait.ge @!p1 [sflag:s17], $0x80  }
0x15a: {  	s2 =	sshll.u32 @!p1 s2, $0x8;
	[sflag:s17] =	ssyncset.done @!p1 $0x0  }
0x15b: {  	s2 =	sadd.s32 @!p1 s14, s2;
	[sflag:s17] =	ssyncadd.s32 @!p1 $0xFFFFFF80;
	s17 =	simm.s32 @!p1 $0x5500  }
0x15c: {  	[tilespmem:s17], [sflag:$0x7] =	stream.linear.gather @!p1 [hbm4b:s2+s19], $0x800, $0x38;
	[tilespmem:$0x1E500] =	vst v63  }
0x15d: {  	s2 =	simm.s32 $0x5D40  }
0x15e: {  	s29 =	simm.s32 $0x0;
	s17 =	simm.s32 $0x1000;
	v1 =	vld [tilespmem:s2+$0xFFFFFFC0]  }
.LBB2_11:
0x15f: {  	p1 =	sne.s32 s17, $0xF000;
	_ =	sdelay $0x2  }
0x160: {  	s19 =	sshra.s32 s29, $0x2;
	s29 =	smov.u32 s17  }
0x161: {  	[tilespmem:s19+$0x6500] =	vst v1  }
0x162: {  	v1 =	vld [tilespmem:s2+$0xFFFFFFD0];
	_ =	sdelay $0x4  }
0x163: {  	[tilespmem:s19+$0x6580] =	vst v1  }
0x164: {  	v1 =	vld [tilespmem:s2+$0xFFFFFFE0];
	_ =	sdelay $0x4  }
0x165: {  	[tilespmem:s19+$0x6600] =	vst v1  }
0x166: {  	v1 =	vld [tilespmem:s2+$0xFFFFFFF0];
	_ =	sdelay $0x4  }
0x167: {  	[tilespmem:s19+$0x6680] =	vst v1  }
0x168: {  	v1 =	vld [tilespmem:s2+$0x0];
	_ =	sdelay $0x4  }
0x169: {  	[tilespmem:s19+$0x6700] =	vst v1  }
0x16a: {  	v1 =	vld [tilespmem:s2+$0x10];
	_ =	sdelay $0x4  }
0x16b: {  	[tilespmem:s19+$0x6780] =	vst v1  }
0x16c: {  	v1 =	vld [tilespmem:s2+$0x20];
	_ =	sdelay $0x4  }
0x16d: {  	[tilespmem:s19+$0x6800] =	vst v1  }
0x16e: {  	v1 =	vld [tilespmem:s2+$0x30];
	_ =	sdelay $0x1  }
.Ltmp13:
0x16f: {  	(pc) =	sbr.rel @p1 .LBB2_11-.Ltmp13, $3  }
0x170: {  	_ =	sdelay $0x1  }
0x171: {  	s2 =	sadd.s32 $0x80, s2;
	[tilespmem:s19+$0x6880] =	vst v1  }
0x172: {  	s17 =	sadd.s32 $0x1000, s17;
	v1 =	vld [tilespmem:s2+$0xFFFFFFC0]  }
0x173: {  	_ =	sdelay $0x2  }
0x174: {  	s17 =	sshra.s32 s29, $0x2  }
0x175: {  	[tilespmem:s17+$0x6500] =	vst v1  }
0x176: {  	v1 =	vld [tilespmem:s2+$0xFFFFFFD0];
	_ =	sdelay $0x4  }
0x177: {  	[tilespmem:s17+$0x6580] =	vst v1  }
0x178: {  	v1 =	vld [tilespmem:s2+$0xFFFFFFE0];
	_ =	sdelay $0x4  }
0x179: {  	[tilespmem:s17+$0x6600] =	vst v1  }
0x17a: {  	v1 =	vld [tilespmem:s2+$0xFFFFFFF0];
	_ =	sdelay $0x4  }
0x17b: {  	[tilespmem:s17+$0x6680] =	vst v1  }
0x17c: {  	v1 =	vld [tilespmem:s2+$0x0];
	_ =	sdelay $0x4  }
0x17d: {  	[tilespmem:s17+$0x6700] =	vst v1  }
0x17e: {  	v1 =	vld [tilespmem:s2+$0x10];
	_ =	sdelay $0x4  }
0x17f: {  	[tilespmem:s17+$0x6780] =	vst v1  }
0x180: {  	v1 =	vld [tilespmem:s2+$0x20];
	_ =	sdelay $0x4  }
0x181: {  	[tilespmem:s17+$0x6800] =	vst v1  }
0x182: {  	v1 =	vld [tilespmem:s2+$0x30];
	_ =	sdelay $0x4  }
.Ltmp14:
0x183: {  	s30 =	simm.s32 $0x6500;
	s31 =	simm.s32 $0x480;
	[tilespmem:s17+$0x6880] =	vst v1;
	(pc) =	sbr.rel .LBB2_13-.Ltmp14, $4  }
0x184: {  	[spmem:s3] =	stream.indirect.scatter.add.f32 [tilespmem:s30], [sflag:$0x9], $0x80, s31, s7, $0xb8;
	[tilespmem:$0x1E500] =	vst v63  }
0x185: {  	_ =	swait.ge [sflag:s21], $0x4000  }
0x186: {  	[sflag:s21] =	ssyncset.done $0x0  }
0x187: {  	[sflag:s21] =	ssyncadd.s32 $0xFFFFC000  }
.LBB2_20:
0x188: {  	_ =	sfence.sel $0x180000  }
0x189: {  	[bflag:$0x0] =	sbarrier.arrive $0xFFFF  }
0x18a: {  	_ =	strace $0x90000047  }
0x18b: {  	s0 =	stileid.u32;
	[bflag:$0x2] =	sbarrier.arrive $0xFFFF  }
0x18c: {  	p0 =	sne.s32 s0, $0x0;
	s0 =	rddreg [dreg:$0x4]  }
0x18d: {  	s0 =	sadd.s32 @!p0 $0x100000, s0  }
0x18e: {  	[sflag:s0] =	ssyncadd.tile.s32 @!p0 $0x1;
	_ =	shalt  }
.Lfunc_end2:
_tile_overlayer_lowered:
.L_overlay_start_2:
0x18f: {  	(tag) =	ssettag $0x2  }
0x190: {  	s0 =	rddreg [dreg:$0x0];
	s2 =	stileid.u32  }
0x191: {  	s1 =	rddreg [dreg:$0x1];
	p0 =	sne.s32 s2, $0x0  }
0x192: {  	s3 =	rddreg [dreg:$0x2];
	[bflag:$0x3] =	sbarrier.arrive $0xFFFF;
	s2 =	simm.s32 @!p0 $0x1C09  }
0x193: {  	[timem:s3], [sflag:s2] =	dma.local @!p0 [hbm:s0], s1  }
0x194: {  	s0 =	simm.s32 @!p0 $0x9  }
0x195: {  	_ =	swait.ge @!p0 [sflag:s0], s1  }
0x196: {  	s1 =	ssub.s32 @!p0 $0x0, s1;
	[sflag:s0] =	ssyncset.done @!p0 $0x0  }
0x197: {  	[sflag:s0] =	ssyncadd.s32 @!p0 s1  }
0x198: {  	[bflag:$0x3] =	sbarrier.arrive $0xFFFF  }
0x199: {  	_ =	shalt  }

</sc_bundles>
